<compile_context>
chip_gen: v7x
topology: tpu7x:2x2x1
jax: 0.10.2.dev20260603
libtpu: 0.0.44.dev20260713+nightly
codegen_flags: <defaults>
</compile_context>

<pallas_src>
import functools

import jax
import jax.numpy as jnp
from jax import lax
from jax.experimental import pallas as pl
from jax.experimental.pallas import tpu as pltpu
from jax.experimental.pallas import tpu_sc as plsc

IN_FEATURES = 128
C0 = 20000
C1 = 100000
C2 = 1000000
D1 = 64
D2 = 32

NC = 2
NS = 16
NW = NC * NS
LANES = 16

CH = 64
NBUF = 5


def _sc_gather(idx_flat, head_weight, tail0_emb, tail1_emb):
    B = idx_flat.shape[0]
    assert B % (NW * CH * NBUF) == 0
    b_per_w = B // NW
    n_super = b_per_w // (CH * NBUF)

    mesh = plsc.VectorSubcoreMesh(core_axis_name="c", subcore_axis_name="s")

    scratch = [
        pltpu.VMEM((b_per_w,), jnp.int32),
        pltpu.VMEM((b_per_w,), jnp.int32),
        pltpu.VMEM((b_per_w,), jnp.int32),
        pltpu.VMEM((b_per_w,), jnp.int32),
    ]
    for _ in range(NBUF):
        scratch += [
            pltpu.VMEM((CH, IN_FEATURES), jnp.float32),
            pltpu.VMEM((CH, D1), jnp.float32),
            pltpu.VMEM((CH, D2), jnp.float32),
            pltpu.SemaphoreType.DMA,
            pltpu.SemaphoreType.DMA,
        ]

    @functools.partial(
        pl.kernel,
        mesh=mesh,
        compiler_params=pltpu.CompilerParams(use_tc_tiling_on_sc=False),
        out_type=(
            jax.ShapeDtypeStruct((B, IN_FEATURES), jnp.float32),
            jax.ShapeDtypeStruct((B, D1), jnp.float32),
            jax.ShapeDtypeStruct((B, D2), jnp.float32),
        ),
        scratch_types=tuple(scratch),
    )
    def gather_kernel(idx_hbm, head_hbm, t0_hbm, t1_hbm,
                      g0_hbm, g1_hbm, g2_hbm,
                      idx_all, r0_all, r1_all, r2_all, *slots):
        b0 = [slots[5 * b + 0] for b in range(NBUF)]
        b1 = [slots[5 * b + 1] for b in range(NBUF)]
        b2 = [slots[5 * b + 2] for b in range(NBUF)]
        gsem = [slots[5 * b + 3] for b in range(NBUF)]
        ssem = [slots[5 * b + 4] for b in range(NBUF)]

        wid = lax.axis_index("s") * NC + lax.axis_index("c")
        base = wid * b_per_w

        pltpu.sync_copy(idx_hbm.at[pl.ds(base, b_per_w)], idx_all)

        def vec_body(j, carry):
            sl = pl.ds(j * LANES, LANES)
            v = idx_all[sl]
            r0_all[sl] = jnp.minimum(jnp.maximum(v, 0), C0 - 1)
            r1_all[sl] = jnp.minimum(jnp.maximum(v - C0, 0), C1 - C0 - 1)
            r2_all[sl] = jnp.minimum(jnp.maximum(v - C1, 0), C2 - C1 - 1)
            return carry

        lax.fori_loop(0, b_per_w // LANES, vec_body, 0)

        def super_body(s, carry):
            gd = []
            for b in range(NBUF):
                off = (s * NBUF + b) * CH
                gd.append((
                    pltpu.async_copy(
                        head_hbm.at[r0_all.at[pl.ds(off, CH)]], b0[b], gsem[b]),
                    pltpu.async_copy(
                        t0_hbm.at[r1_all.at[pl.ds(off, CH)]], b1[b], gsem[b]),
                    pltpu.async_copy(
                        t1_hbm.at[r2_all.at[pl.ds(off, CH)]], b2[b], gsem[b]),
                ))
            sd = []
            for b in range(NBUF):
                for d in gd[b]:
                    d.wait()
                goff = base + (s * NBUF + b) * CH
                sd.append((
                    pltpu.async_copy(b0[b], g0_hbm.at[pl.ds(goff, CH)], ssem[b]),
                    pltpu.async_copy(b1[b], g1_hbm.at[pl.ds(goff, CH)], ssem[b]),
                    pltpu.async_copy(b2[b], g2_hbm.at[pl.ds(goff, CH)], ssem[b]),
                ))
            for t in sd:
                for d in t:
                    d.wait()
            return carry

        lax.fori_loop(0, n_super, super_body, 0)

    return gather_kernel(idx_flat, head_weight, tail0_emb, tail1_emb)


def _tc_combine(idx3, g0, g1, g2, w0t, w1t, bt):
    B = g0.shape[0]
    nb = B // bt

    def body(idx_ref, g0_ref, g1_ref, g2_ref, w0t_ref, w1t_ref, out_ref):
        idx = idx_ref[...]
        m0 = (idx >= 0) & (idx < C0)
        m1 = (idx >= C0) & (idx < C1)
        m2 = (idx >= C1) & (idx < C2)
        p1 = jnp.dot(g1_ref[...], w0t_ref[...],
                     preferred_element_type=jnp.float32)
        p2 = jnp.dot(g2_ref[...], w1t_ref[...],
                     preferred_element_type=jnp.float32)
        zero = jnp.zeros_like(out_ref)
        out_ref[...] = (
            jnp.where(m0, g0_ref[...], zero)
            + jnp.where(m1, p1, zero)
            + jnp.where(m2, p2, zero)
        )

    return pl.pallas_call(
        body,
        grid=(nb,),
        in_specs=[
            pl.BlockSpec((bt, 1), lambda i: (i, 0)),
            pl.BlockSpec((bt, IN_FEATURES), lambda i: (i, 0)),
            pl.BlockSpec((bt, D1), lambda i: (i, 0)),
            pl.BlockSpec((bt, D2), lambda i: (i, 0)),
            pl.BlockSpec((D1, IN_FEATURES), lambda i: (0, 0)),
            pl.BlockSpec((D2, IN_FEATURES), lambda i: (0, 0)),
        ],
        out_specs=pl.BlockSpec((bt, IN_FEATURES), lambda i: (i, 0)),
        out_shape=jax.ShapeDtypeStruct((B, IN_FEATURES), jnp.float32),
    )(idx3, g0, g1, g2, w0t, w1t)


def kernel(myinput, head_weight, tail0_emb, tail0_w, tail1_emb, tail1_w):
    Bm, L = myinput.shape
    B = Bm * L
    idx_flat = myinput.reshape(B)

    g0, g1, g2 = _sc_gather(idx_flat, head_weight, tail0_emb, tail1_emb)

    bt = 4096
    idx_col = idx_flat.reshape(B, 1)
    out = _tc_combine(idx_col, g0, g1, g2, tail0_w.T, tail1_w.T, bt)
    return out.reshape(Bm, L, IN_FEATURES)

# --- scband reference (transcript-rebuilt; emitter-appended) ---
"""Pipeline reference for scband-adaptive-input-18786186953331 (READ-ONLY COPY).

The authoritative reference and input builder live on the scoring server;
editing this copy changes nothing except your own understanding.
"""

import jax, jax.numpy as jnp
import numpy as np

IN_FEATURES = 128
N_CLASSES = 1000000
CUTOFFS = [20000, 100000, 1000000]  # self.cutoffs = cutoffs + [n_classes]
DIV_VALUE = 2.0


def setup_inputs(seed: int = 0) -> dict:
    key = jax.random.key(seed)
    k1, k2, k3, k4, k5, k6 = jax.random.split(key, 6)
    myinput = jax.random.randint(k1, (4096, 50), 0, N_CLASSES, dtype=jnp.int32)
    # head embedding: [cutoffs[0], in_features]
    head_weight = jax.random.normal(k2, (CUTOFFS[0], IN_FEATURES), dtype=jnp.float32) * 0.02
    # tail cluster 0: hsz = 128 // 2^1 = 64, osz = 100000 - 20000 = 80000
    tail0_emb = jax.random.normal(k3, (CUTOFFS[1] - CUTOFFS[0], IN_FEATURES // 2), dtype=jnp.float32) * 0.02
    tail0_w = jax.random.normal(k4, (IN_FEATURES, IN_FEATURES // 2), dtype=jnp.float32) * 0.02  # Linear(hsz, in_features).weight
    # tail cluster 1: hsz = 128 // 2^2 = 32, osz = 1000000 - 100000 = 900000
    tail1_emb = jax.random.normal(k5, (CUTOFFS[2] - CUTOFFS[1], IN_FEATURES // 4), dtype=jnp.float32) * 0.02
    tail1_w = jax.random.normal(k6, (IN_FEATURES, IN_FEATURES // 4), dtype=jnp.float32) * 0.02
    return {
        "myinput": myinput,
        "head_weight": head_weight,
        "tail0_emb": tail0_emb,
        "tail0_w": tail0_w,
        "tail1_emb": tail1_emb,
        "tail1_w": tail1_w,
    }


def reference(myinput, head_weight, tail0_emb, tail0_w, tail1_emb, tail1_w):
    # Faithful translation of AdaptiveInput.forward (eval mode: Dropout is identity).
    B, L = myinput.shape
    flat = myinput.reshape(-1)
    cut = [0] + CUTOFFS
    out = jnp.zeros((B * L, IN_FEATURES), dtype=jnp.float32)
    # cluster 0 (head): plain embedding lookup
    m0 = (flat >= cut[0]) & (flat < cut[1])
    r0 = jnp.clip(flat - cut[0], 0, cut[1] - cut[0] - 1)
    e0 = jnp.take(head_weight, r0, axis=0)
    out = jnp.where(m0[:, None], e0, out)
    # cluster 1 (tail[0]): embedding -> linear projection (no bias)
    m1 = (flat >= cut[1]) & (flat < cut[2])
    r1 = jnp.clip(flat - cut[1], 0, cut[2] - cut[1] - 1)
    e1 = jnp.take(tail0_emb, r1, axis=0) @ tail0_w.T
    out = jnp.where(m1[:, None], e1, out)
    # cluster 2 (tail[1])
    m2 = (flat >= cut[2]) & (flat < cut[3])
    r2 = jnp.clip(flat - cut[2], 0, cut[3] - cut[2] - 1)
    e2 = jnp.take(tail1_emb, r2, axis=0) @ tail1_w.T
    out = jnp.where(m2[:, None], e2, out)
    return out.reshape(B, L, IN_FEATURES)

if __name__ == "__main__":
    import jax
    _d = setup_inputs()
    print(jax.jit(kernel)(*tuple(_d.values())))

</pallas_src>

<mosaic_0001>
#map = affine_map<(d0, d1) -> (0)>
#map1 = affine_map<(d0, d1) -> (0, 0)>
module attributes {stable_mosaic.version = 14 : i64} {
  func.func @gather_kernel(%arg0: i32, %arg1: i32, %arg2: memref<204800xi32, #tpu.memory_space<hbm>>, %arg3: memref<20000x128xf32, #tpu.memory_space<hbm>>, %arg4: memref<80000x64xf32, #tpu.memory_space<hbm>>, %arg5: memref<900000x32xf32, #tpu.memory_space<hbm>>, %arg6: memref<204800x128xf32, #tpu.memory_space<hbm>>, %arg7: memref<204800x64xf32, #tpu.memory_space<hbm>>, %arg8: memref<204800x32xf32, #tpu.memory_space<hbm>>, %arg9: memref<6400xi32, #tpu.memory_space<vmem>>, %arg10: memref<6400xi32, #tpu.memory_space<vmem>>, %arg11: memref<6400xi32, #tpu.memory_space<vmem>>, %arg12: memref<6400xi32, #tpu.memory_space<vmem>>, %arg13: memref<64x128xf32, #tpu.memory_space<vmem>>, %arg14: memref<64x64xf32, #tpu.memory_space<vmem>>, %arg15: memref<64x32xf32, #tpu.memory_space<vmem>>, %arg16: memref<!tpu.dma_semaphore, #tpu.memory_space<semaphore_mem>>, %arg17: memref<!tpu.dma_semaphore, #tpu.memory_space<semaphore_mem>>, %arg18: memref<64x128xf32, #tpu.memory_space<vmem>>, %arg19: memref<64x64xf32, #tpu.memory_space<vmem>>, %arg20: memref<64x32xf32, #tpu.memory_space<vmem>>, %arg21: memref<!tpu.dma_semaphore, #tpu.memory_space<semaphore_mem>>, %arg22: memref<!tpu.dma_semaphore, #tpu.memory_space<semaphore_mem>>, %arg23: memref<64x128xf32, #tpu.memory_space<vmem>>, %arg24: memref<64x64xf32, #tpu.memory_space<vmem>>, %arg25: memref<64x32xf32, #tpu.memory_space<vmem>>, %arg26: memref<!tpu.dma_semaphore, #tpu.memory_space<semaphore_mem>>, %arg27: memref<!tpu.dma_semaphore, #tpu.memory_space<semaphore_mem>>, %arg28: memref<64x128xf32, #tpu.memory_space<vmem>>, %arg29: memref<64x64xf32, #tpu.memory_space<vmem>>, %arg30: memref<64x32xf32, #tpu.memory_space<vmem>>, %arg31: memref<!tpu.dma_semaphore, #tpu.memory_space<semaphore_mem>>, %arg32: memref<!tpu.dma_semaphore, #tpu.memory_space<semaphore_mem>>, %arg33: memref<64x128xf32, #tpu.memory_space<vmem>>, %arg34: memref<64x64xf32, #tpu.memory_space<vmem>>, %arg35: memref<64x32xf32, #tpu.memory_space<vmem>>, %arg36: memref<!tpu.dma_semaphore, #tpu.memory_space<semaphore_mem>>, %arg37: memref<!tpu.dma_semaphore, #tpu.memory_space<semaphore_mem>>) attributes {dimension_semantics = [#tpu.dimension_semantics<core_parallel>, #tpu.dimension_semantics<subcore_parallel>], iteration_bounds = array<i64: 2, 16>, scalar_prefetch = 0 : i64, scratch_operands = 29 : i64, tpu.core_type = #tpu.core_type<sc_vector_subcore>, window_params = [{transform_indices = #map}, {transform_indices = #map1}, {transform_indices = #map1}, {transform_indices = #map1}, {transform_indices = #map1}, {transform_indices = #map1}, {transform_indices = #map1}]} {
    %mul3A = arith.constant 2 : i32
    %mul3A_0 = arith.muli %arg1, %mul3A : i32
    %add3A = arith.addi %mul3A_0, %arg0 : i32
    %mul3A_1 = arith.constant 6400 : i32
    %mul3A_2 = arith.muli %add3A, %mul3A_1 : i32
    "tpu.region"() ({
      %run_scoped3A = tpu.sem_alloc : memref<!tpu.dma_semaphore, #tpu.memory_space<semaphore_mem>>
      %dma_start3A = tpu.memref_slice %arg2[%mul3A_2] : memref<204800xi32, #tpu.memory_space<hbm>> -> memref<6400xi32, #tpu.memory_space<hbm>>
      %dma_start3A_14 = tpu.memref_slice %arg2[%mul3A_2] : memref<204800xi32, #tpu.memory_space<hbm>> -> memref<6400xi32, #tpu.memory_space<hbm>>
      tpu.enqueue_dma source(%dma_start3A_14 : memref<6400xi32, #tpu.memory_space<hbm>>) target(%arg9 : memref<6400xi32, #tpu.memory_space<vmem>>) target_semaphore(%run_scoped3A : memref<!tpu.dma_semaphore, #tpu.memory_space<semaphore_mem>>)
      %dma_wait3A = tpu.memref_slice %arg2[%mul3A_2] : memref<204800xi32, #tpu.memory_space<hbm>> -> memref<6400xi32, #tpu.memory_space<hbm>>
      %dma_wait3A_15 = tpu.memref_slice %arg2[%mul3A_2] : memref<204800xi32, #tpu.memory_space<hbm>> -> memref<6400xi32, #tpu.memory_space<hbm>>
      tpu.wait_dma2 semaphore(%run_scoped3A : memref<!tpu.dma_semaphore, #tpu.memory_space<semaphore_mem>>) src(%dma_wait3A_15 : memref<6400xi32, #tpu.memory_space<hbm>>) dst(%arg9 : memref<6400xi32, #tpu.memory_space<vmem>>)
      tpu.yield
    }) : () -> ()
    %scan3A = arith.constant 0 : i32
    %scan3A_3 = arith.constant 0 : i32
    %scan3A_4 = arith.constant 400 : i32
    %scan3A_5 = arith.addi %scan3A_3, %scan3A_4 : i32
    %scan3A_6 = arith.constant 1 : i32
    scf.for %scan3A_14 = %scan3A_3 to %scan3A_5 step %scan3A_6  : i32 {
      %mul3A_15 = arith.constant 16 : i32
      %mul3A_16 = arith.muli %scan3A_14, %mul3A_15 : i32
      %get3A = arith.index_cast %mul3A_16 : i32 to index
      %get3A_17 = tpu.vector_load %arg9[%get3A] {strides = array<i32>} : memref<6400xi32, #tpu.memory_space<vmem>>, vector<16xi32>,
      %get3A_18 = vector.shape_cast %get3A_17 : vector<16xi32> to vector<16xi32>
      %max3A = arith.constant 0 : i32
      %max3A_19 = vector.broadcast %max3A : i32 to vector<16xi32>
      %max3A_20 = arith.maxsi %get3A_18, %max3A_19 : vector<16xi32>
      %min3A = arith.constant 19999 : i32
      %min3A_21 = vector.broadcast %min3A : i32 to vector<16xi32>
      %min3A_22 = arith.minsi %max3A_20, %min3A_21 : vector<16xi32>
      %swap3A = arith.index_cast %mul3A_16 : i32 to index
      %swap3A_23 = tpu.vector_load %arg10[%swap3A] {strides = array<i32>} : memref<6400xi32, #tpu.memory_space<vmem>>, vector<16xi32>,
      %swap3A_24 = vector.shape_cast %swap3A_23 : vector<16xi32> to vector<16xi32>
      %swap3A_25 = vector.shape_cast %min3A_22 : vector<16xi32> to vector<16xi32>
      tpu.vector_store %arg10[%swap3A], %swap3A_25 {strides = array<i32>} : memref<6400xi32, #tpu.memory_space<vmem>>, vector<16xi32>,
      %sub3A = arith.constant 20000 : i32
      %sub3A_26 = vector.broadcast %sub3A : i32 to vector<16xi32>
      %sub3A_27 = arith.subi %get3A_18, %sub3A_26 : vector<16xi32>
      %max3A_28 = arith.constant 0 : i32
      %max3A_29 = vector.broadcast %max3A_28 : i32 to vector<16xi32>
      %max3A_30 = arith.maxsi %sub3A_27, %max3A_29 : vector<16xi32>
      %min3A_31 = arith.constant 79999 : i32
      %min3A_32 = vector.broadcast %min3A_31 : i32 to vector<16xi32>
      %min3A_33 = arith.minsi %max3A_30, %min3A_32 : vector<16xi32>
      %swap3A_34 = arith.index_cast %mul3A_16 : i32 to index
      %swap3A_35 = tpu.vector_load %arg11[%swap3A_34] {strides = array<i32>} : memref<6400xi32, #tpu.memory_space<vmem>>, vector<16xi32>,
      %swap3A_36 = vector.shape_cast %swap3A_35 : vector<16xi32> to vector<16xi32>
      %swap3A_37 = vector.shape_cast %min3A_33 : vector<16xi32> to vector<16xi32>
      tpu.vector_store %arg11[%swap3A_34], %swap3A_37 {strides = array<i32>} : memref<6400xi32, #tpu.memory_space<vmem>>, vector<16xi32>,
      %sub3A_38 = arith.constant 100000 : i32
      %sub3A_39 = vector.broadcast %sub3A_38 : i32 to vector<16xi32>
      %sub3A_40 = arith.subi %get3A_18, %sub3A_39 : vector<16xi32>
      %max3A_41 = arith.constant 0 : i32
      %max3A_42 = vector.broadcast %max3A_41 : i32 to vector<16xi32>
      %max3A_43 = arith.maxsi %sub3A_40, %max3A_42 : vector<16xi32>
      %min3A_44 = arith.constant 899999 : i32
      %min3A_45 = vector.broadcast %min3A_44 : i32 to vector<16xi32>
      %min3A_46 = arith.minsi %max3A_43, %min3A_45 : vector<16xi32>
      %swap3A_47 = arith.index_cast %mul3A_16 : i32 to index
      %swap3A_48 = tpu.vector_load %arg12[%swap3A_47] {strides = array<i32>} : memref<6400xi32, #tpu.memory_space<vmem>>, vector<16xi32>,
      %swap3A_49 = vector.shape_cast %swap3A_48 : vector<16xi32> to vector<16xi32>
      %swap3A_50 = vector.shape_cast %min3A_46 : vector<16xi32> to vector<16xi32>
      tpu.vector_store %arg12[%swap3A_47], %swap3A_50 {strides = array<i32>} : memref<6400xi32, #tpu.memory_space<vmem>>, vector<16xi32>,
    }
    %scan3A_7 = arith.constant 400 : i32
    %scan3A_8 = arith.constant 0 : i32
    %scan3A_9 = arith.constant 0 : i32
    %scan3A_10 = arith.constant 20 : i32
    %scan3A_11 = arith.addi %scan3A_9, %scan3A_10 : i32
    %scan3A_12 = arith.constant 1 : i32
    scf.for %scan3A_14 = %scan3A_9 to %scan3A_11 step %scan3A_12  : i32 {
      %mul3A_15 = arith.constant 5 : i32
      %mul3A_16 = arith.muli %scan3A_14, %mul3A_15 : i32
      %add3A_17 = arith.constant 0 : i32
      %add3A_18 = arith.addi %mul3A_16, %add3A_17 : i32
      %mul3A_19 = arith.constant 64 : i32
      %mul3A_20 = arith.muli %add3A_18, %mul3A_19 : i32
      %dma_start3A = tpu.memref_slice %arg10[%mul3A_20] : memref<6400xi32, #tpu.memory_space<vmem>> -> memref<64xi32, #tpu.memory_space<vmem>>
      %dma_start3A_21 = arith.constant 0 : i32
      %dma_start3A_22 = arith.constant 0 : i32
      %dma_start3A_23 = tpu.memref_slice %arg3[%dma_start3A_21, %dma_start3A_22] : memref<20000x128xf32, #tpu.memory_space<hbm>> -> memref<20000x128xf32, #tpu.memory_space<hbm>>
      tpu.enqueue_indirect_dma source(%dma_start3A_23 : memref<20000x128xf32, #tpu.memory_space<hbm>>) target(%arg13 : memref<64x128xf32, #tpu.memory_space<vmem>>) offsets(%dma_start3A : memref<64xi32, #tpu.memory_space<vmem>>) semaphore(%arg16 : memref<!tpu.dma_semaphore, #tpu.memory_space<semaphore_mem>>)
      %dma_start3A_24 = tpu.memref_slice %arg11[%mul3A_20] : memref<6400xi32, #tpu.memory_space<vmem>> -> memref<64xi32, #tpu.memory_space<vmem>>
      %dma_start3A_25 = arith.constant 0 : i32
      %dma_start3A_26 = arith.constant 0 : i32
      %dma_start3A_27 = tpu.memref_slice %arg4[%dma_start3A_25, %dma_start3A_26] : memref<80000x64xf32, #tpu.memory_space<hbm>> -> memref<80000x64xf32, #tpu.memory_space<hbm>>
      tpu.enqueue_indirect_dma source(%dma_start3A_27 : memref<80000x64xf32, #tpu.memory_space<hbm>>) target(%arg14 : memref<64x64xf32, #tpu.memory_space<vmem>>) offsets(%dma_start3A_24 : memref<64xi32, #tpu.memory_space<vmem>>) semaphore(%arg16 : memref<!tpu.dma_semaphore, #tpu.memory_space<semaphore_mem>>)
      %dma_start3A_28 = tpu.memref_slice %arg12[%mul3A_20] : memref<6400xi32, #tpu.memory_space<vmem>> -> memref<64xi32, #tpu.memory_space<vmem>>
      %dma_start3A_29 = arith.constant 0 : i32
      %dma_start3A_30 = arith.constant 0 : i32
      %dma_start3A_31 = tpu.memref_slice %arg5[%dma_start3A_29, %dma_start3A_30] : memref<900000x32xf32, #tpu.memory_space<hbm>> -> memref<900000x32xf32, #tpu.memory_space<hbm>>
      tpu.enqueue_indirect_dma source(%dma_start3A_31 : memref<900000x32xf32, #tpu.memory_space<hbm>>) target(%arg15 : memref<64x32xf32, #tpu.memory_space<vmem>>) offsets(%dma_start3A_28 : memref<64xi32, #tpu.memory_space<vmem>>) semaphore(%arg16 : memref<!tpu.dma_semaphore, #tpu.memory_space<semaphore_mem>>)
      %mul3A_32 = arith.constant 5 : i32
      %mul3A_33 = arith.muli %scan3A_14, %mul3A_32 : i32
      %add3A_34 = arith.constant 1 : i32
      %add3A_35 = arith.addi %mul3A_33, %add3A_34 : i32
      %mul3A_36 = arith.constant 64 : i32
      %mul3A_37 = arith.muli %add3A_35, %mul3A_36 : i32
      %dma_start3A_38 = tpu.memref_slice %arg10[%mul3A_37] : memref<6400xi32, #tpu.memory_space<vmem>> -> memref<64xi32, #tpu.memory_space<vmem>>
      %dma_start3A_39 = arith.constant 0 : i32
      %dma_start3A_40 = arith.constant 0 : i32
      %dma_start3A_41 = tpu.memref_slice %arg3[%dma_start3A_39, %dma_start3A_40] : memref<20000x128xf32, #tpu.memory_space<hbm>> -> memref<20000x128xf32, #tpu.memory_space<hbm>>
      tpu.enqueue_indirect_dma source(%dma_start3A_41 : memref<20000x128xf32, #tpu.memory_space<hbm>>) target(%arg18 : memref<64x128xf32, #tpu.memory_space<vmem>>) offsets(%dma_start3A_38 : memref<64xi32, #tpu.memory_space<vmem>>) semaphore(%arg21 : memref<!tpu.dma_semaphore, #tpu.memory_space<semaphore_mem>>)
      %dma_start3A_42 = tpu.memref_slice %arg11[%mul3A_37] : memref<6400xi32, #tpu.memory_space<vmem>> -> memref<64xi32, #tpu.memory_space<vmem>>
      %dma_start3A_43 = arith.constant 0 : i32
      %dma_start3A_44 = arith.constant 0 : i32
      %dma_start3A_45 = tpu.memref_slice %arg4[%dma_start3A_43, %dma_start3A_44] : memref<80000x64xf32, #tpu.memory_space<hbm>> -> memref<80000x64xf32, #tpu.memory_space<hbm>>
      tpu.enqueue_indirect_dma source(%dma_start3A_45 : memref<80000x64xf32, #tpu.memory_space<hbm>>) target(%arg19 : memref<64x64xf32, #tpu.memory_space<vmem>>) offsets(%dma_start3A_42 : memref<64xi32, #tpu.memory_space<vmem>>) semaphore(%arg21 : memref<!tpu.dma_semaphore, #tpu.memory_space<semaphore_mem>>)
      %dma_start3A_46 = tpu.memref_slice %arg12[%mul3A_37] : memref<6400xi32, #tpu.memory_space<vmem>> -> memref<64xi32, #tpu.memory_space<vmem>>
      %dma_start3A_47 = arith.constant 0 : i32
      %dma_start3A_48 = arith.constant 0 : i32
      %dma_start3A_49 = tpu.memref_slice %arg5[%dma_start3A_47, %dma_start3A_48] : memref<900000x32xf32, #tpu.memory_space<hbm>> -> memref<900000x32xf32, #tpu.memory_space<hbm>>
      tpu.enqueue_indirect_dma source(%dma_start3A_49 : memref<900000x32xf32, #tpu.memory_space<hbm>>) target(%arg20 : memref<64x32xf32, #tpu.memory_space<vmem>>) offsets(%dma_start3A_46 : memref<64xi32, #tpu.memory_space<vmem>>) semaphore(%arg21 : memref<!tpu.dma_semaphore, #tpu.memory_space<semaphore_mem>>)
      %mul3A_50 = arith.constant 5 : i32
      %mul3A_51 = arith.muli %scan3A_14, %mul3A_50 : i32
      %add3A_52 = arith.constant 2 : i32
      %add3A_53 = arith.addi %mul3A_51, %add3A_52 : i32
      %mul3A_54 = arith.constant 64 : i32
      %mul3A_55 = arith.muli %add3A_53, %mul3A_54 : i32
      %dma_start3A_56 = tpu.memref_slice %arg10[%mul3A_55] : memref<6400xi32, #tpu.memory_space<vmem>> -> memref<64xi32, #tpu.memory_space<vmem>>
      %dma_start3A_57 = arith.constant 0 : i32
      %dma_start3A_58 = arith.constant 0 : i32
      %dma_start3A_59 = tpu.memref_slice %arg3[%dma_start3A_57, %dma_start3A_58] : memref<20000x128xf32, #tpu.memory_space<hbm>> -> memref<20000x128xf32, #tpu.memory_space<hbm>>
      tpu.enqueue_indirect_dma source(%dma_start3A_59 : memref<20000x128xf32, #tpu.memory_space<hbm>>) target(%arg23 : memref<64x128xf32, #tpu.memory_space<vmem>>) offsets(%dma_start3A_56 : memref<64xi32, #tpu.memory_space<vmem>>) semaphore(%arg26 : memref<!tpu.dma_semaphore, #tpu.memory_space<semaphore_mem>>)
      %dma_start3A_60 = tpu.memref_slice %arg11[%mul3A_55] : memref<6400xi32, #tpu.memory_space<vmem>> -> memref<64xi32, #tpu.memory_space<vmem>>
      %dma_start3A_61 = arith.constant 0 : i32
      %dma_start3A_62 = arith.constant 0 : i32
      %dma_start3A_63 = tpu.memref_slice %arg4[%dma_start3A_61, %dma_start3A_62] : memref<80000x64xf32, #tpu.memory_space<hbm>> -> memref<80000x64xf32, #tpu.memory_space<hbm>>
      tpu.enqueue_indirect_dma source(%dma_start3A_63 : memref<80000x64xf32, #tpu.memory_space<hbm>>) target(%arg24 : memref<64x64xf32, #tpu.memory_space<vmem>>) offsets(%dma_start3A_60 : memref<64xi32, #tpu.memory_space<vmem>>) semaphore(%arg26 : memref<!tpu.dma_semaphore, #tpu.memory_space<semaphore_mem>>)
      %dma_start3A_64 = tpu.memref_slice %arg12[%mul3A_55] : memref<6400xi32, #tpu.memory_space<vmem>> -> memref<64xi32, #tpu.memory_space<vmem>>
      %dma_start3A_65 = arith.constant 0 : i32
      %dma_start3A_66 = arith.constant 0 : i32
      %dma_start3A_67 = tpu.memref_slice %arg5[%dma_start3A_65, %dma_start3A_66] : memref<900000x32xf32, #tpu.memory_space<hbm>> -> memref<900000x32xf32, #tpu.memory_space<hbm>>
      tpu.enqueue_indirect_dma source(%dma_start3A_67 : memref<900000x32xf32, #tpu.memory_space<hbm>>) target(%arg25 : memref<64x32xf32, #tpu.memory_space<vmem>>) offsets(%dma_start3A_64 : memref<64xi32, #tpu.memory_space<vmem>>) semaphore(%arg26 : memref<!tpu.dma_semaphore, #tpu.memory_space<semaphore_mem>>)
      %mul3A_68 = arith.constant 5 : i32
      %mul3A_69 = arith.muli %scan3A_14, %mul3A_68 : i32
      %add3A_70 = arith.constant 3 : i32
      %add3A_71 = arith.addi %mul3A_69, %add3A_70 : i32
      %mul3A_72 = arith.constant 64 : i32
      %mul3A_73 = arith.muli %add3A_71, %mul3A_72 : i32
      %dma_start3A_74 = tpu.memref_slice %arg10[%mul3A_73] : memref<6400xi32, #tpu.memory_space<vmem>> -> memref<64xi32, #tpu.memory_space<vmem>>
      %dma_start3A_75 = arith.constant 0 : i32
      %dma_start3A_76 = arith.constant 0 : i32
      %dma_start3A_77 = tpu.memref_slice %arg3[%dma_start3A_75, %dma_start3A_76] : memref<20000x128xf32, #tpu.memory_space<hbm>> -> memref<20000x128xf32, #tpu.memory_space<hbm>>
      tpu.enqueue_indirect_dma source(%dma_start3A_77 : memref<20000x128xf32, #tpu.memory_space<hbm>>) target(%arg28 : memref<64x128xf32, #tpu.memory_space<vmem>>) offsets(%dma_start3A_74 : memref<64xi32, #tpu.memory_space<vmem>>) semaphore(%arg31 : memref<!tpu.dma_semaphore, #tpu.memory_space<semaphore_mem>>)
      %dma_start3A_78 = tpu.memref_slice %arg11[%mul3A_73] : memref<6400xi32, #tpu.memory_space<vmem>> -> memref<64xi32, #tpu.memory_space<vmem>>
      %dma_start3A_79 = arith.constant 0 : i32
      %dma_start3A_80 = arith.constant 0 : i32
      %dma_start3A_81 = tpu.memref_slice %arg4[%dma_start3A_79, %dma_start3A_80] : memref<80000x64xf32, #tpu.memory_space<hbm>> -> memref<80000x64xf32, #tpu.memory_space<hbm>>
      tpu.enqueue_indirect_dma source(%dma_start3A_81 : memref<80000x64xf32, #tpu.memory_space<hbm>>) target(%arg29 : memref<64x64xf32, #tpu.memory_space<vmem>>) offsets(%dma_start3A_78 : memref<64xi32, #tpu.memory_space<vmem>>) semaphore(%arg31 : memref<!tpu.dma_semaphore, #tpu.memory_space<semaphore_mem>>)
      %dma_start3A_82 = tpu.memref_slice %arg12[%mul3A_73] : memref<6400xi32, #tpu.memory_space<vmem>> -> memref<64xi32, #tpu.memory_space<vmem>>
      %dma_start3A_83 = arith.constant 0 : i32
      %dma_start3A_84 = arith.constant 0 : i32
      %dma_start3A_85 = tpu.memref_slice %arg5[%dma_start3A_83, %dma_start3A_84] : memref<900000x32xf32, #tpu.memory_space<hbm>> -> memref<900000x32xf32, #tpu.memory_space<hbm>>
      tpu.enqueue_indirect_dma source(%dma_start3A_85 : memref<900000x32xf32, #tpu.memory_space<hbm>>) target(%arg30 : memref<64x32xf32, #tpu.memory_space<vmem>>) offsets(%dma_start3A_82 : memref<64xi32, #tpu.memory_space<vmem>>) semaphore(%arg31 : memref<!tpu.dma_semaphore, #tpu.memory_space<semaphore_mem>>)
      %mul3A_86 = arith.constant 5 : i32
      %mul3A_87 = arith.muli %scan3A_14, %mul3A_86 : i32
      %add3A_88 = arith.constant 4 : i32
      %add3A_89 = arith.addi %mul3A_87, %add3A_88 : i32
      %mul3A_90 = arith.constant 64 : i32
      %mul3A_91 = arith.muli %add3A_89, %mul3A_90 : i32
      %dma_start3A_92 = tpu.memref_slice %arg10[%mul3A_91] : memref<6400xi32, #tpu.memory_space<vmem>> -> memref<64xi32, #tpu.memory_space<vmem>>
      %dma_start3A_93 = arith.constant 0 : i32
      %dma_start3A_94 = arith.constant 0 : i32
      %dma_start3A_95 = tpu.memref_slice %arg3[%dma_start3A_93, %dma_start3A_94] : memref<20000x128xf32, #tpu.memory_space<hbm>> -> memref<20000x128xf32, #tpu.memory_space<hbm>>
      tpu.enqueue_indirect_dma source(%dma_start3A_95 : memref<20000x128xf32, #tpu.memory_space<hbm>>) target(%arg33 : memref<64x128xf32, #tpu.memory_space<vmem>>) offsets(%dma_start3A_92 : memref<64xi32, #tpu.memory_space<vmem>>) semaphore(%arg36 : memref<!tpu.dma_semaphore, #tpu.memory_space<semaphore_mem>>)
      %dma_start3A_96 = tpu.memref_slice %arg11[%mul3A_91] : memref<6400xi32, #tpu.memory_space<vmem>> -> memref<64xi32, #tpu.memory_space<vmem>>
      %dma_start3A_97 = arith.constant 0 : i32
      %dma_start3A_98 = arith.constant 0 : i32
      %dma_start3A_99 = tpu.memref_slice %arg4[%dma_start3A_97, %dma_start3A_98] : memref<80000x64xf32, #tpu.memory_space<hbm>> -> memref<80000x64xf32, #tpu.memory_space<hbm>>
      tpu.enqueue_indirect_dma source(%dma_start3A_99 : memref<80000x64xf32, #tpu.memory_space<hbm>>) target(%arg34 : memref<64x64xf32, #tpu.memory_space<vmem>>) offsets(%dma_start3A_96 : memref<64xi32, #tpu.memory_space<vmem>>) semaphore(%arg36 : memref<!tpu.dma_semaphore, #tpu.memory_space<semaphore_mem>>)
      %dma_start3A_100 = tpu.memref_slice %arg12[%mul3A_91] : memref<6400xi32, #tpu.memory_space<vmem>> -> memref<64xi32, #tpu.memory_space<vmem>>
      %dma_start3A_101 = arith.constant 0 : i32
      %dma_start3A_102 = arith.constant 0 : i32
      %dma_start3A_103 = tpu.memref_slice %arg5[%dma_start3A_101, %dma_start3A_102] : memref<900000x32xf32, #tpu.memory_space<hbm>> -> memref<900000x32xf32, #tpu.memory_space<hbm>>
      tpu.enqueue_indirect_dma source(%dma_start3A_103 : memref<900000x32xf32, #tpu.memory_space<hbm>>) target(%arg35 : memref<64x32xf32, #tpu.memory_space<vmem>>) offsets(%dma_start3A_100 : memref<64xi32, #tpu.memory_space<vmem>>) semaphore(%arg36 : memref<!tpu.dma_semaphore, #tpu.memory_space<semaphore_mem>>)
      %dma_wait3A = tpu.memref_slice %arg10[%mul3A_20] : memref<6400xi32, #tpu.memory_space<vmem>> -> memref<64xi32, #tpu.memory_space<vmem>>
      %dma_wait3A_104 = arith.constant 0 : i32
      %dma_wait3A_105 = arith.constant 0 : i32
      %dma_wait3A_106 = tpu.memref_slice %arg3[%dma_wait3A_104, %dma_wait3A_105] : memref<20000x128xf32, #tpu.memory_space<hbm>> -> memref<20000x128xf32, #tpu.memory_space<hbm>>
      tpu.wait_indirect_dma semaphore(%arg16 : memref<!tpu.dma_semaphore, #tpu.memory_space<semaphore_mem>>) src(%dma_wait3A_106 : memref<20000x128xf32, #tpu.memory_space<hbm>>) dst(%arg13 : memref<64x128xf32, #tpu.memory_space<vmem>>)
      %dma_wait3A_107 = tpu.memref_slice %arg11[%mul3A_20] : memref<6400xi32, #tpu.memory_space<vmem>> -> memref<64xi32, #tpu.memory_space<vmem>>
      %dma_wait3A_108 = arith.constant 0 : i32
      %dma_wait3A_109 = arith.constant 0 : i32
      %dma_wait3A_110 = tpu.memref_slice %arg4[%dma_wait3A_108, %dma_wait3A_109] : memref<80000x64xf32, #tpu.memory_space<hbm>> -> memref<80000x64xf32, #tpu.memory_space<hbm>>
      tpu.wait_indirect_dma semaphore(%arg16 : memref<!tpu.dma_semaphore, #tpu.memory_space<semaphore_mem>>) src(%dma_wait3A_110 : memref<80000x64xf32, #tpu.memory_space<hbm>>) dst(%arg14 : memref<64x64xf32, #tpu.memory_space<vmem>>)
      %dma_wait3A_111 = tpu.memref_slice %arg12[%mul3A_20] : memref<6400xi32, #tpu.memory_space<vmem>> -> memref<64xi32, #tpu.memory_space<vmem>>
      %dma_wait3A_112 = arith.constant 0 : i32
      %dma_wait3A_113 = arith.constant 0 : i32
      %dma_wait3A_114 = tpu.memref_slice %arg5[%dma_wait3A_112, %dma_wait3A_113] : memref<900000x32xf32, #tpu.memory_space<hbm>> -> memref<900000x32xf32, #tpu.memory_space<hbm>>
      tpu.wait_indirect_dma semaphore(%arg16 : memref<!tpu.dma_semaphore, #tpu.memory_space<semaphore_mem>>) src(%dma_wait3A_114 : memref<900000x32xf32, #tpu.memory_space<hbm>>) dst(%arg15 : memref<64x32xf32, #tpu.memory_space<vmem>>)
      %mul3A_115 = arith.constant 5 : i32
      %mul3A_116 = arith.muli %scan3A_14, %mul3A_115 : i32
      %add3A_117 = arith.constant 0 : i32
      %add3A_118 = arith.addi %mul3A_116, %add3A_117 : i32
      %mul3A_119 = arith.constant 64 : i32
      %mul3A_120 = arith.muli %add3A_118, %mul3A_119 : i32
      %add3A_121 = arith.addi %mul3A_2, %mul3A_120 : i32
      %dma_start3A_122 = arith.constant 0 : i32
      %dma_start3A_123 = tpu.memref_slice %arg6[%add3A_121, %dma_start3A_122] : memref<204800x128xf32, #tpu.memory_space<hbm>> -> memref<64x128xf32, #tpu.memory_space<hbm>>
      %dma_start3A_124 = arith.constant 0 : i32
      %dma_start3A_125 = tpu.memref_slice %arg6[%add3A_121, %dma_start3A_124] : memref<204800x128xf32, #tpu.memory_space<hbm>> -> memref<64x128xf32, #tpu.memory_space<hbm>>
      tpu.enqueue_dma source(%arg13 : memref<64x128xf32, #tpu.memory_space<vmem>>) target(%dma_start3A_125 : memref<64x128xf32, #tpu.memory_space<hbm>>) target_semaphore(%arg17 : memref<!tpu.dma_semaphore, #tpu.memory_space<semaphore_mem>>)
      %dma_start3A_126 = arith.constant 0 : i32
      %dma_start3A_127 = tpu.memref_slice %arg7[%add3A_121, %dma_start3A_126] : memref<204800x64xf32, #tpu.memory_space<hbm>> -> memref<64x64xf32, #tpu.memory_space<hbm>>
      %dma_start3A_128 = arith.constant 0 : i32
      %dma_start3A_129 = tpu.memref_slice %arg7[%add3A_121, %dma_start3A_128] : memref<204800x64xf32, #tpu.memory_space<hbm>> -> memref<64x64xf32, #tpu.memory_space<hbm>>
      tpu.enqueue_dma source(%arg14 : memref<64x64xf32, #tpu.memory_space<vmem>>) target(%dma_start3A_129 : memref<64x64xf32, #tpu.memory_space<hbm>>) target_semaphore(%arg17 : memref<!tpu.dma_semaphore, #tpu.memory_space<semaphore_mem>>)
      %dma_start3A_130 = arith.constant 0 : i32
      %dma_start3A_131 = tpu.memref_slice %arg8[%add3A_121, %dma_start3A_130] : memref<204800x32xf32, #tpu.memory_space<hbm>> -> memref<64x32xf32, #tpu.memory_space<hbm>>
      %dma_start3A_132 = arith.constant 0 : i32
      %dma_start3A_133 = tpu.memref_slice %arg8[%add3A_121, %dma_start3A_132] : memref<204800x32xf32, #tpu.memory_space<hbm>> -> memref<64x32xf32, #tpu.memory_space<hbm>>
      tpu.enqueue_dma source(%arg15 : memref<64x32xf32, #tpu.memory_space<vmem>>) target(%dma_start3A_133 : memref<64x32xf32, #tpu.memory_space<hbm>>) target_semaphore(%arg17 : memref<!tpu.dma_semaphore, #tpu.memory_space<semaphore_mem>>)
      %dma_wait3A_134 = tpu.memref_slice %arg10[%mul3A_37] : memref<6400xi32, #tpu.memory_space<vmem>> -> memref<64xi32, #tpu.memory_space<vmem>>
      %dma_wait3A_135 = arith.constant 0 : i32
      %dma_wait3A_136 = arith.constant 0 : i32
      %dma_wait3A_137 = tpu.memref_slice %arg3[%dma_wait3A_135, %dma_wait3A_136] : memref<20000x128xf32, #tpu.memory_space<hbm>> -> memref<20000x128xf32, #tpu.memory_space<hbm>>
      tpu.wait_indirect_dma semaphore(%arg21 : memref<!tpu.dma_semaphore, #tpu.memory_space<semaphore_mem>>) src(%dma_wait3A_137 : memref<20000x128xf32, #tpu.memory_space<hbm>>) dst(%arg18 : memref<64x128xf32, #tpu.memory_space<vmem>>)
      %dma_wait3A_138 = tpu.memref_slice %arg11[%mul3A_37] : memref<6400xi32, #tpu.memory_space<vmem>> -> memref<64xi32, #tpu.memory_space<vmem>>
      %dma_wait3A_139 = arith.constant 0 : i32
      %dma_wait3A_140 = arith.constant 0 : i32
      %dma_wait3A_141 = tpu.memref_slice %arg4[%dma_wait3A_139, %dma_wait3A_140] : memref<80000x64xf32, #tpu.memory_space<hbm>> -> memref<80000x64xf32, #tpu.memory_space<hbm>>
      tpu.wait_indirect_dma semaphore(%arg21 : memref<!tpu.dma_semaphore, #tpu.memory_space<semaphore_mem>>) src(%dma_wait3A_141 : memref<80000x64xf32, #tpu.memory_space<hbm>>) dst(%arg19 : memref<64x64xf32, #tpu.memory_space<vmem>>)
      %dma_wait3A_142 = tpu.memref_slice %arg12[%mul3A_37] : memref<6400xi32, #tpu.memory_space<vmem>> -> memref<64xi32, #tpu.memory_space<vmem>>
      %dma_wait3A_143 = arith.constant 0 : i32
      %dma_wait3A_144 = arith.constant 0 : i32
      %dma_wait3A_145 = tpu.memref_slice %arg5[%dma_wait3A_143, %dma_wait3A_144] : memref<900000x32xf32, #tpu.memory_space<hbm>> -> memref<900000x32xf32, #tpu.memory_space<hbm>>
      tpu.wait_indirect_dma semaphore(%arg21 : memref<!tpu.dma_semaphore, #tpu.memory_space<semaphore_mem>>) src(%dma_wait3A_145 : memref<900000x32xf32, #tpu.memory_space<hbm>>) dst(%arg20 : memref<64x32xf32, #tpu.memory_space<vmem>>)
      %mul3A_146 = arith.constant 5 : i32
      %mul3A_147 = arith.muli %scan3A_14, %mul3A_146 : i32
      %add3A_148 = arith.constant 1 : i32
      %add3A_149 = arith.addi %mul3A_147, %add3A_148 : i32
      %mul3A_150 = arith.constant 64 : i32
      %mul3A_151 = arith.muli %add3A_149, %mul3A_150 : i32
      %add3A_152 = arith.addi %mul3A_2, %mul3A_151 : i32
      %dma_start3A_153 = arith.constant 0 : i32
      %dma_start3A_154 = tpu.memref_slice %arg6[%add3A_152, %dma_start3A_153] : memref<204800x128xf32, #tpu.memory_space<hbm>> -> memref<64x128xf32, #tpu.memory_space<hbm>>
      %dma_start3A_155 = arith.constant 0 : i32
      %dma_start3A_156 = tpu.memref_slice %arg6[%add3A_152, %dma_start3A_155] : memref<204800x128xf32, #tpu.memory_space<hbm>> -> memref<64x128xf32, #tpu.memory_space<hbm>>
      tpu.enqueue_dma source(%arg18 : memref<64x128xf32, #tpu.memory_space<vmem>>) target(%dma_start3A_156 : memref<64x128xf32, #tpu.memory_space<hbm>>) target_semaphore(%arg22 : memref<!tpu.dma_semaphore, #tpu.memory_space<semaphore_mem>>)
      %dma_start3A_157 = arith.constant 0 : i32
      %dma_start3A_158 = tpu.memref_slice %arg7[%add3A_152, %dma_start3A_157] : memref<204800x64xf32, #tpu.memory_space<hbm>> -> memref<64x64xf32, #tpu.memory_space<hbm>>
      %dma_start3A_159 = arith.constant 0 : i32
      %dma_start3A_160 = tpu.memref_slice %arg7[%add3A_152, %dma_start3A_159] : memref<204800x64xf32, #tpu.memory_space<hbm>> -> memref<64x64xf32, #tpu.memory_space<hbm>>
      tpu.enqueue_dma source(%arg19 : memref<64x64xf32, #tpu.memory_space<vmem>>) target(%dma_start3A_160 : memref<64x64xf32, #tpu.memory_space<hbm>>) target_semaphore(%arg22 : memref<!tpu.dma_semaphore, #tpu.memory_space<semaphore_mem>>)
      %dma_start3A_161 = arith.constant 0 : i32
      %dma_start3A_162 = tpu.memref_slice %arg8[%add3A_152, %dma_start3A_161] : memref<204800x32xf32, #tpu.memory_space<hbm>> -> memref<64x32xf32, #tpu.memory_space<hbm>>
      %dma_start3A_163 = arith.constant 0 : i32
      %dma_start3A_164 = tpu.memref_slice %arg8[%add3A_152, %dma_start3A_163] : memref<204800x32xf32, #tpu.memory_space<hbm>> -> memref<64x32xf32, #tpu.memory_space<hbm>>
      tpu.enqueue_dma source(%arg20 : memref<64x32xf32, #tpu.memory_space<vmem>>) target(%dma_start3A_164 : memref<64x32xf32, #tpu.memory_space<hbm>>) target_semaphore(%arg22 : memref<!tpu.dma_semaphore, #tpu.memory_space<semaphore_mem>>)
      %dma_wait3A_165 = tpu.memref_slice %arg10[%mul3A_55] : memref<6400xi32, #tpu.memory_space<vmem>> -> memref<64xi32, #tpu.memory_space<vmem>>
      %dma_wait3A_166 = arith.constant 0 : i32
      %dma_wait3A_167 = arith.constant 0 : i32
      %dma_wait3A_168 = tpu.memref_slice %arg3[%dma_wait3A_166, %dma_wait3A_167] : memref<20000x128xf32, #tpu.memory_space<hbm>> -> memref<20000x128xf32, #tpu.memory_space<hbm>>
      tpu.wait_indirect_dma semaphore(%arg26 : memref<!tpu.dma_semaphore, #tpu.memory_space<semaphore_mem>>) src(%dma_wait3A_168 : memref<20000x128xf32, #tpu.memory_space<hbm>>) dst(%arg23 : memref<64x128xf32, #tpu.memory_space<vmem>>)
      %dma_wait3A_169 = tpu.memref_slice %arg11[%mul3A_55] : memref<6400xi32, #tpu.memory_space<vmem>> -> memref<64xi32, #tpu.memory_space<vmem>>
      %dma_wait3A_170 = arith.constant 0 : i32
      %dma_wait3A_171 = arith.constant 0 : i32
      %dma_wait3A_172 = tpu.memref_slice %arg4[%dma_wait3A_170, %dma_wait3A_171] : memref<80000x64xf32, #tpu.memory_space<hbm>> -> memref<80000x64xf32, #tpu.memory_space<hbm>>
      tpu.wait_indirect_dma semaphore(%arg26 : memref<!tpu.dma_semaphore, #tpu.memory_space<semaphore_mem>>) src(%dma_wait3A_172 : memref<80000x64xf32, #tpu.memory_space<hbm>>) dst(%arg24 : memref<64x64xf32, #tpu.memory_space<vmem>>)
      %dma_wait3A_173 = tpu.memref_slice %arg12[%mul3A_55] : memref<6400xi32, #tpu.memory_space<vmem>> -> memref<64xi32, #tpu.memory_space<vmem>>
      %dma_wait3A_174 = arith.constant 0 : i32
      %dma_wait3A_175 = arith.constant 0 : i32
      %dma_wait3A_176 = tpu.memref_slice %arg5[%dma_wait3A_174, %dma_wait3A_175] : memref<900000x32xf32, #tpu.memory_space<hbm>> -> memref<900000x32xf32, #tpu.memory_space<hbm>>
      tpu.wait_indirect_dma semaphore(%arg26 : memref<!tpu.dma_semaphore, #tpu.memory_space<semaphore_mem>>) src(%dma_wait3A_176 : memref<900000x32xf32, #tpu.memory_space<hbm>>) dst(%arg25 : memref<64x32xf32, #tpu.memory_space<vmem>>)
      %mul3A_177 = arith.constant 5 : i32
      %mul3A_178 = arith.muli %scan3A_14, %mul3A_177 : i32
      %add3A_179 = arith.constant 2 : i32
      %add3A_180 = arith.addi %mul3A_178, %add3A_179 : i32
      %mul3A_181 = arith.constant 64 : i32
      %mul3A_182 = arith.muli %add3A_180, %mul3A_181 : i32
      %add3A_183 = arith.addi %mul3A_2, %mul3A_182 : i32
      %dma_start3A_184 = arith.constant 0 : i32
      %dma_start3A_185 = tpu.memref_slice %arg6[%add3A_183, %dma_start3A_184] : memref<204800x128xf32, #tpu.memory_space<hbm>> -> memref<64x128xf32, #tpu.memory_space<hbm>>
      %dma_start3A_186 = arith.constant 0 : i32
      %dma_start3A_187 = tpu.memref_slice %arg6[%add3A_183, %dma_start3A_186] : memref<204800x128xf32, #tpu.memory_space<hbm>> -> memref<64x128xf32, #tpu.memory_space<hbm>>
      tpu.enqueue_dma source(%arg23 : memref<64x128xf32, #tpu.memory_space<vmem>>) target(%dma_start3A_187 : memref<64x128xf32, #tpu.memory_space<hbm>>) target_semaphore(%arg27 : memref<!tpu.dma_semaphore, #tpu.memory_space<semaphore_mem>>)
      %dma_start3A_188 = arith.constant 0 : i32
      %dma_start3A_189 = tpu.memref_slice %arg7[%add3A_183, %dma_start3A_188] : memref<204800x64xf32, #tpu.memory_space<hbm>> -> memref<64x64xf32, #tpu.memory_space<hbm>>
      %dma_start3A_190 = arith.constant 0 : i32
      %dma_start3A_191 = tpu.memref_slice %arg7[%add3A_183, %dma_start3A_190] : memref<204800x64xf32, #tpu.memory_space<hbm>> -> memref<64x64xf32, #tpu.memory_space<hbm>>
      tpu.enqueue_dma source(%arg24 : memref<64x64xf32, #tpu.memory_space<vmem>>) target(%dma_start3A_191 : memref<64x64xf32, #tpu.memory_space<hbm>>) target_semaphore(%arg27 : memref<!tpu.dma_semaphore, #tpu.memory_space<semaphore_mem>>)
      %dma_start3A_192 = arith.constant 0 : i32
      %dma_start3A_193 = tpu.memref_slice %arg8[%add3A_183, %dma_start3A_192] : memref<204800x32xf32, #tpu.memory_space<hbm>> -> memref<64x32xf32, #tpu.memory_space<hbm>>
      %dma_start3A_194 = arith.constant 0 : i32
      %dma_start3A_195 = tpu.memref_slice %arg8[%add3A_183, %dma_start3A_194] : memref<204800x32xf32, #tpu.memory_space<hbm>> -> memref<64x32xf32, #tpu.memory_space<hbm>>
      tpu.enqueue_dma source(%arg25 : memref<64x32xf32, #tpu.memory_space<vmem>>) target(%dma_start3A_195 : memref<64x32xf32, #tpu.memory_space<hbm>>) target_semaphore(%arg27 : memref<!tpu.dma_semaphore, #tpu.memory_space<semaphore_mem>>)
      %dma_wait3A_196 = tpu.memref_slice %arg10[%mul3A_73] : memref<6400xi32, #tpu.memory_space<vmem>> -> memref<64xi32, #tpu.memory_space<vmem>>
      %dma_wait3A_197 = arith.constant 0 : i32
      %dma_wait3A_198 = arith.constant 0 : i32
      %dma_wait3A_199 = tpu.memref_slice %arg3[%dma_wait3A_197, %dma_wait3A_198] : memref<20000x128xf32, #tpu.memory_space<hbm>> -> memref<20000x128xf32, #tpu.memory_space<hbm>>
      tpu.wait_indirect_dma semaphore(%arg31 : memref<!tpu.dma_semaphore, #tpu.memory_space<semaphore_mem>>) src(%dma_wait3A_199 : memref<20000x128xf32, #tpu.memory_space<hbm>>) dst(%arg28 : memref<64x128xf32, #tpu.memory_space<vmem>>)
      %dma_wait3A_200 = tpu.memref_slice %arg11[%mul3A_73] : memref<6400xi32, #tpu.memory_space<vmem>> -> memref<64xi32, #tpu.memory_space<vmem>>
      %dma_wait3A_201 = arith.constant 0 : i32
      %dma_wait3A_202 = arith.constant 0 : i32
      %dma_wait3A_203 = tpu.memref_slice %arg4[%dma_wait3A_201, %dma_wait3A_202] : memref<80000x64xf32, #tpu.memory_space<hbm>> -> memref<80000x64xf32, #tpu.memory_space<hbm>>
      tpu.wait_indirect_dma semaphore(%arg31 : memref<!tpu.dma_semaphore, #tpu.memory_space<semaphore_mem>>) src(%dma_wait3A_203 : memref<80000x64xf32, #tpu.memory_space<hbm>>) dst(%arg29 : memref<64x64xf32, #tpu.memory_space<vmem>>)
      %dma_wait3A_204 = tpu.memref_slice %arg12[%mul3A_73] : memref<6400xi32, #tpu.memory_space<vmem>> -> memref<64xi32, #tpu.memory_space<vmem>>
      %dma_wait3A_205 = arith.constant 0 : i32
      %dma_wait3A_206 = arith.constant 0 : i32
      %dma_wait3A_207 = tpu.memref_slice %arg5[%dma_wait3A_205, %dma_wait3A_206] : memref<900000x32xf32, #tpu.memory_space<hbm>> -> memref<900000x32xf32, #tpu.memory_space<hbm>>
      tpu.wait_indirect_dma semaphore(%arg31 : memref<!tpu.dma_semaphore, #tpu.memory_space<semaphore_mem>>) src(%dma_wait3A_207 : memref<900000x32xf32, #tpu.memory_space<hbm>>) dst(%arg30 : memref<64x32xf32, #tpu.memory_space<vmem>>)
      %mul3A_208 = arith.constant 5 : i32
      %mul3A_209 = arith.muli %scan3A_14, %mul3A_208 : i32
      %add3A_210 = arith.constant 3 : i32
      %add3A_211 = arith.addi %mul3A_209, %add3A_210 : i32
      %mul3A_212 = arith.constant 64 : i32
      %mul3A_213 = arith.muli %add3A_211, %mul3A_212 : i32
      %add3A_214 = arith.addi %mul3A_2, %mul3A_213 : i32
      %dma_start3A_215 = arith.constant 0 : i32
      %dma_start3A_216 = tpu.memref_slice %arg6[%add3A_214, %dma_start3A_215] : memref<204800x128xf32, #tpu.memory_space<hbm>> -> memref<64x128xf32, #tpu.memory_space<hbm>>
      %dma_start3A_217 = arith.constant 0 : i32
      %dma_start3A_218 = tpu.memref_slice %arg6[%add3A_214, %dma_start3A_217] : memref<204800x128xf32, #tpu.memory_space<hbm>> -> memref<64x128xf32, #tpu.memory_space<hbm>>
      tpu.enqueue_dma source(%arg28 : memref<64x128xf32, #tpu.memory_space<vmem>>) target(%dma_start3A_218 : memref<64x128xf32, #tpu.memory_space<hbm>>) target_semaphore(%arg32 : memref<!tpu.dma_semaphore, #tpu.memory_space<semaphore_mem>>)
      %dma_start3A_219 = arith.constant 0 : i32
      %dma_start3A_220 = tpu.memref_slice %arg7[%add3A_214, %dma_start3A_219] : memref<204800x64xf32, #tpu.memory_space<hbm>> -> memref<64x64xf32, #tpu.memory_space<hbm>>
      %dma_start3A_221 = arith.constant 0 : i32
      %dma_start3A_222 = tpu.memref_slice %arg7[%add3A_214, %dma_start3A_221] : memref<204800x64xf32, #tpu.memory_space<hbm>> -> memref<64x64xf32, #tpu.memory_space<hbm>>
      tpu.enqueue_dma source(%arg29 : memref<64x64xf32, #tpu.memory_space<vmem>>) target(%dma_start3A_222 : memref<64x64xf32, #tpu.memory_space<hbm>>) target_semaphore(%arg32 : memref<!tpu.dma_semaphore, #tpu.memory_space<semaphore_mem>>)
      %dma_start3A_223 = arith.constant 0 : i32
      %dma_start3A_224 = tpu.memref_slice %arg8[%add3A_214, %dma_start3A_223] : memref<204800x32xf32, #tpu.memory_space<hbm>> -> memref<64x32xf32, #tpu.memory_space<hbm>>
      %dma_start3A_225 = arith.constant 0 : i32
      %dma_start3A_226 = tpu.memref_slice %arg8[%add3A_214, %dma_start3A_225] : memref<204800x32xf32, #tpu.memory_space<hbm>> -> memref<64x32xf32, #tpu.memory_space<hbm>>
      tpu.enqueue_dma source(%arg30 : memref<64x32xf32, #tpu.memory_space<vmem>>) target(%dma_start3A_226 : memref<64x32xf32, #tpu.memory_space<hbm>>) target_semaphore(%arg32 : memref<!tpu.dma_semaphore, #tpu.memory_space<semaphore_mem>>)
      %dma_wait3A_227 = tpu.memref_slice %arg10[%mul3A_91] : memref<6400xi32, #tpu.memory_space<vmem>> -> memref<64xi32, #tpu.memory_space<vmem>>
      %dma_wait3A_228 = arith.constant 0 : i32
      %dma_wait3A_229 = arith.constant 0 : i32
      %dma_wait3A_230 = tpu.memref_slice %arg3[%dma_wait3A_228, %dma_wait3A_229] : memref<20000x128xf32, #tpu.memory_space<hbm>> -> memref<20000x128xf32, #tpu.memory_space<hbm>>
      tpu.wait_indirect_dma semaphore(%arg36 : memref<!tpu.dma_semaphore, #tpu.memory_space<semaphore_mem>>) src(%dma_wait3A_230 : memref<20000x128xf32, #tpu.memory_space<hbm>>) dst(%arg33 : memref<64x128xf32, #tpu.memory_space<vmem>>)
      %dma_wait3A_231 = tpu.memref_slice %arg11[%mul3A_91] : memref<6400xi32, #tpu.memory_space<vmem>> -> memref<64xi32, #tpu.memory_space<vmem>>
      %dma_wait3A_232 = arith.constant 0 : i32
      %dma_wait3A_233 = arith.constant 0 : i32
      %dma_wait3A_234 = tpu.memref_slice %arg4[%dma_wait3A_232, %dma_wait3A_233] : memref<80000x64xf32, #tpu.memory_space<hbm>> -> memref<80000x64xf32, #tpu.memory_space<hbm>>
      tpu.wait_indirect_dma semaphore(%arg36 : memref<!tpu.dma_semaphore, #tpu.memory_space<semaphore_mem>>) src(%dma_wait3A_234 : memref<80000x64xf32, #tpu.memory_space<hbm>>) dst(%arg34 : memref<64x64xf32, #tpu.memory_space<vmem>>)
      %dma_wait3A_235 = tpu.memref_slice %arg12[%mul3A_91] : memref<6400xi32, #tpu.memory_space<vmem>> -> memref<64xi32, #tpu.memory_space<vmem>>
      %dma_wait3A_236 = arith.constant 0 : i32
      %dma_wait3A_237 = arith.constant 0 : i32
      %dma_wait3A_238 = tpu.memref_slice %arg5[%dma_wait3A_236, %dma_wait3A_237] : memref<900000x32xf32, #tpu.memory_space<hbm>> -> memref<900000x32xf32, #tpu.memory_space<hbm>>
      tpu.wait_indirect_dma semaphore(%arg36 : memref<!tpu.dma_semaphore, #tpu.memory_space<semaphore_mem>>) src(%dma_wait3A_238 : memref<900000x32xf32, #tpu.memory_space<hbm>>) dst(%arg35 : memref<64x32xf32, #tpu.memory_space<vmem>>)
      %mul3A_239 = arith.constant 5 : i32
      %mul3A_240 = arith.muli %scan3A_14, %mul3A_239 : i32
      %add3A_241 = arith.constant 4 : i32
      %add3A_242 = arith.addi %mul3A_240, %add3A_241 : i32
      %mul3A_243 = arith.constant 64 : i32
      %mul3A_244 = arith.muli %add3A_242, %mul3A_243 : i32
      %add3A_245 = arith.addi %mul3A_2, %mul3A_244 : i32
      %dma_start3A_246 = arith.constant 0 : i32
      %dma_start3A_247 = tpu.memref_slice %arg6[%add3A_245, %dma_start3A_246] : memref<204800x128xf32, #tpu.memory_space<hbm>> -> memref<64x128xf32, #tpu.memory_space<hbm>>
      %dma_start3A_248 = arith.constant 0 : i32
      %dma_start3A_249 = tpu.memref_slice %arg6[%add3A_245, %dma_start3A_248] : memref<204800x128xf32, #tpu.memory_space<hbm>> -> memref<64x128xf32, #tpu.memory_space<hbm>>
      tpu.enqueue_dma source(%arg33 : memref<64x128xf32, #tpu.memory_space<vmem>>) target(%dma_start3A_249 : memref<64x128xf32, #tpu.memory_space<hbm>>) target_semaphore(%arg37 : memref<!tpu.dma_semaphore, #tpu.memory_space<semaphore_mem>>)
      %dma_start3A_250 = arith.constant 0 : i32
      %dma_start3A_251 = tpu.memref_slice %arg7[%add3A_245, %dma_start3A_250] : memref<204800x64xf32, #tpu.memory_space<hbm>> -> memref<64x64xf32, #tpu.memory_space<hbm>>
      %dma_start3A_252 = arith.constant 0 : i32
      %dma_start3A_253 = tpu.memref_slice %arg7[%add3A_245, %dma_start3A_252] : memref<204800x64xf32, #tpu.memory_space<hbm>> -> memref<64x64xf32, #tpu.memory_space<hbm>>
      tpu.enqueue_dma source(%arg34 : memref<64x64xf32, #tpu.memory_space<vmem>>) target(%dma_start3A_253 : memref<64x64xf32, #tpu.memory_space<hbm>>) target_semaphore(%arg37 : memref<!tpu.dma_semaphore, #tpu.memory_space<semaphore_mem>>)
      %dma_start3A_254 = arith.constant 0 : i32
      %dma_start3A_255 = tpu.memref_slice %arg8[%add3A_245, %dma_start3A_254] : memref<204800x32xf32, #tpu.memory_space<hbm>> -> memref<64x32xf32, #tpu.memory_space<hbm>>
      %dma_start3A_256 = arith.constant 0 : i32
      %dma_start3A_257 = tpu.memref_slice %arg8[%add3A_245, %dma_start3A_256] : memref<204800x32xf32, #tpu.memory_space<hbm>> -> memref<64x32xf32, #tpu.memory_space<hbm>>
      tpu.enqueue_dma source(%arg35 : memref<64x32xf32, #tpu.memory_space<vmem>>) target(%dma_start3A_257 : memref<64x32xf32, #tpu.memory_space<hbm>>) target_semaphore(%arg37 : memref<!tpu.dma_semaphore, #tpu.memory_space<semaphore_mem>>)
      %dma_wait3A_258 = arith.constant 0 : i32
      %dma_wait3A_259 = tpu.memref_slice %arg6[%add3A_121, %dma_wait3A_258] : memref<204800x128xf32, #tpu.memory_space<hbm>> -> memref<64x128xf32, #tpu.memory_space<hbm>>
      %dma_wait3A_260 = arith.constant 0 : i32
      %dma_wait3A_261 = tpu.memref_slice %arg6[%add3A_121, %dma_wait3A_260] : memref<204800x128xf32, #tpu.memory_space<hbm>> -> memref<64x128xf32, #tpu.memory_space<hbm>>
      tpu.wait_dma2 semaphore(%arg17 : memref<!tpu.dma_semaphore, #tpu.memory_space<semaphore_mem>>) src(%arg13 : memref<64x128xf32, #tpu.memory_space<vmem>>) dst(%dma_wait3A_261 : memref<64x128xf32, #tpu.memory_space<hbm>>)
      %dma_wait3A_262 = arith.constant 0 : i32
      %dma_wait3A_263 = tpu.memref_slice %arg7[%add3A_121, %dma_wait3A_262] : memref<204800x64xf32, #tpu.memory_space<hbm>> -> memref<64x64xf32, #tpu.memory_space<hbm>>
      %dma_wait3A_264 = arith.constant 0 : i32
      %dma_wait3A_265 = tpu.memref_slice %arg7[%add3A_121, %dma_wait3A_264] : memref<204800x64xf32, #tpu.memory_space<hbm>> -> memref<64x64xf32, #tpu.memory_space<hbm>>
      tpu.wait_dma2 semaphore(%arg17 : memref<!tpu.dma_semaphore, #tpu.memory_space<semaphore_mem>>) src(%arg14 : memref<64x64xf32, #tpu.memory_space<vmem>>) dst(%dma_wait3A_265 : memref<64x64xf32, #tpu.memory_space<hbm>>)
      %dma_wait3A_266 = arith.constant 0 : i32
      %dma_wait3A_267 = tpu.memref_slice %arg8[%add3A_121, %dma_wait3A_266] : memref<204800x32xf32, #tpu.memory_space<hbm>> -> memref<64x32xf32, #tpu.memory_space<hbm>>
      %dma_wait3A_268 = arith.constant 0 : i32
      %dma_wait3A_269 = tpu.memref_slice %arg8[%add3A_121, %dma_wait3A_268] : memref<204800x32xf32, #tpu.memory_space<hbm>> -> memref<64x32xf32, #tpu.memory_space<hbm>>
      tpu.wait_dma2 semaphore(%arg17 : memref<!tpu.dma_semaphore, #tpu.memory_space<semaphore_mem>>) src(%arg15 : memref<64x32xf32, #tpu.memory_space<vmem>>) dst(%dma_wait3A_269 : memref<64x32xf32, #tpu.memory_space<hbm>>)
      %dma_wait3A_270 = arith.constant 0 : i32
      %dma_wait3A_271 = tpu.memref_slice %arg6[%add3A_152, %dma_wait3A_270] : memref<204800x128xf32, #tpu.memory_space<hbm>> -> memref<64x128xf32, #tpu.memory_space<hbm>>
      %dma_wait3A_272 = arith.constant 0 : i32
      %dma_wait3A_273 = tpu.memref_slice %arg6[%add3A_152, %dma_wait3A_272] : memref<204800x128xf32, #tpu.memory_space<hbm>> -> memref<64x128xf32, #tpu.memory_space<hbm>>
      tpu.wait_dma2 semaphore(%arg22 : memref<!tpu.dma_semaphore, #tpu.memory_space<semaphore_mem>>) src(%arg18 : memref<64x128xf32, #tpu.memory_space<vmem>>) dst(%dma_wait3A_273 : memref<64x128xf32, #tpu.memory_space<hbm>>)
      %dma_wait3A_274 = arith.constant 0 : i32
      %dma_wait3A_275 = tpu.memref_slice %arg7[%add3A_152, %dma_wait3A_274] : memref<204800x64xf32, #tpu.memory_space<hbm>> -> memref<64x64xf32, #tpu.memory_space<hbm>>
      %dma_wait3A_276 = arith.constant 0 : i32
      %dma_wait3A_277 = tpu.memref_slice %arg7[%add3A_152, %dma_wait3A_276] : memref<204800x64xf32, #tpu.memory_space<hbm>> -> memref<64x64xf32, #tpu.memory_space<hbm>>
      tpu.wait_dma2 semaphore(%arg22 : memref<!tpu.dma_semaphore, #tpu.memory_space<semaphore_mem>>) src(%arg19 : memref<64x64xf32, #tpu.memory_space<vmem>>) dst(%dma_wait3A_277 : memref<64x64xf32, #tpu.memory_space<hbm>>)
      %dma_wait3A_278 = arith.constant 0 : i32
      %dma_wait3A_279 = tpu.memref_slice %arg8[%add3A_152, %dma_wait3A_278] : memref<204800x32xf32, #tpu.memory_space<hbm>> -> memref<64x32xf32, #tpu.memory_space<hbm>>
      %dma_wait3A_280 = arith.constant 0 : i32
      %dma_wait3A_281 = tpu.memref_slice %arg8[%add3A_152, %dma_wait3A_280] : memref<204800x32xf32, #tpu.memory_space<hbm>> -> memref<64x32xf32, #tpu.memory_space<hbm>>
      tpu.wait_dma2 semaphore(%arg22 : memref<!tpu.dma_semaphore, #tpu.memory_space<semaphore_mem>>) src(%arg20 : memref<64x32xf32, #tpu.memory_space<vmem>>) dst(%dma_wait3A_281 : memref<64x32xf32, #tpu.memory_space<hbm>>)
      %dma_wait3A_282 = arith.constant 0 : i32
      %dma_wait3A_283 = tpu.memref_slice %arg6[%add3A_183, %dma_wait3A_282] : memref<204800x128xf32, #tpu.memory_space<hbm>> -> memref<64x128xf32, #tpu.memory_space<hbm>>
      %dma_wait3A_284 = arith.constant 0 : i32
      %dma_wait3A_285 = tpu.memref_slice %arg6[%add3A_183, %dma_wait3A_284] : memref<204800x128xf32, #tpu.memory_space<hbm>> -> memref<64x128xf32, #tpu.memory_space<hbm>>
      tpu.wait_dma2 semaphore(%arg27 : memref<!tpu.dma_semaphore, #tpu.memory_space<semaphore_mem>>) src(%arg23 : memref<64x128xf32, #tpu.memory_space<vmem>>) dst(%dma_wait3A_285 : memref<64x128xf32, #tpu.memory_space<hbm>>)
      %dma_wait3A_286 = arith.constant 0 : i32
      %dma_wait3A_287 = tpu.memref_slice %arg7[%add3A_183, %dma_wait3A_286] : memref<204800x64xf32, #tpu.memory_space<hbm>> -> memref<64x64xf32, #tpu.memory_space<hbm>>
      %dma_wait3A_288 = arith.constant 0 : i32
      %dma_wait3A_289 = tpu.memref_slice %arg7[%add3A_183, %dma_wait3A_288] : memref<204800x64xf32, #tpu.memory_space<hbm>> -> memref<64x64xf32, #tpu.memory_space<hbm>>
      tpu.wait_dma2 semaphore(%arg27 : memref<!tpu.dma_semaphore, #tpu.memory_space<semaphore_mem>>) src(%arg24 : memref<64x64xf32, #tpu.memory_space<vmem>>) dst(%dma_wait3A_289 : memref<64x64xf32, #tpu.memory_space<hbm>>)
      %dma_wait3A_290 = arith.constant 0 : i32
      %dma_wait3A_291 = tpu.memref_slice %arg8[%add3A_183, %dma_wait3A_290] : memref<204800x32xf32, #tpu.memory_space<hbm>> -> memref<64x32xf32, #tpu.memory_space<hbm>>
      %dma_wait3A_292 = arith.constant 0 : i32
      %dma_wait3A_293 = tpu.memref_slice %arg8[%add3A_183, %dma_wait3A_292] : memref<204800x32xf32, #tpu.memory_space<hbm>> -> memref<64x32xf32, #tpu.memory_space<hbm>>
      tpu.wait_dma2 semaphore(%arg27 : memref<!tpu.dma_semaphore, #tpu.memory_space<semaphore_mem>>) src(%arg25 : memref<64x32xf32, #tpu.memory_space<vmem>>) dst(%dma_wait3A_293 : memref<64x32xf32, #tpu.memory_space<hbm>>)
      %dma_wait3A_294 = arith.constant 0 : i32
      %dma_wait3A_295 = tpu.memref_slice %arg6[%add3A_214, %dma_wait3A_294] : memref<204800x128xf32, #tpu.memory_space<hbm>> -> memref<64x128xf32, #tpu.memory_space<hbm>>
      %dma_wait3A_296 = arith.constant 0 : i32
      %dma_wait3A_297 = tpu.memref_slice %arg6[%add3A_214, %dma_wait3A_296] : memref<204800x128xf32, #tpu.memory_space<hbm>> -> memref<64x128xf32, #tpu.memory_space<hbm>>
      tpu.wait_dma2 semaphore(%arg32 : memref<!tpu.dma_semaphore, #tpu.memory_space<semaphore_mem>>) src(%arg28 : memref<64x128xf32, #tpu.memory_space<vmem>>) dst(%dma_wait3A_297 : memref<64x128xf32, #tpu.memory_space<hbm>>)
      %dma_wait3A_298 = arith.constant 0 : i32
      %dma_wait3A_299 = tpu.memref_slice %arg7[%add3A_214, %dma_wait3A_298] : memref<204800x64xf32, #tpu.memory_space<hbm>> -> memref<64x64xf32, #tpu.memory_space<hbm>>
      %dma_wait3A_300 = arith.constant 0 : i32
      %dma_wait3A_301 = tpu.memref_slice %arg7[%add3A_214, %dma_wait3A_300] : memref<204800x64xf32, #tpu.memory_space<hbm>> -> memref<64x64xf32, #tpu.memory_space<hbm>>
      tpu.wait_dma2 semaphore(%arg32 : memref<!tpu.dma_semaphore, #tpu.memory_space<semaphore_mem>>) src(%arg29 : memref<64x64xf32, #tpu.memory_space<vmem>>) dst(%dma_wait3A_301 : memref<64x64xf32, #tpu.memory_space<hbm>>)
      %dma_wait3A_302 = arith.constant 0 : i32
      %dma_wait3A_303 = tpu.memref_slice %arg8[%add3A_214, %dma_wait3A_302] : memref<204800x32xf32, #tpu.memory_space<hbm>> -> memref<64x32xf32, #tpu.memory_space<hbm>>
      %dma_wait3A_304 = arith.constant 0 : i32
      %dma_wait3A_305 = tpu.memref_slice %arg8[%add3A_214, %dma_wait3A_304] : memref<204800x32xf32, #tpu.memory_space<hbm>> -> memref<64x32xf32, #tpu.memory_space<hbm>>
      tpu.wait_dma2 semaphore(%arg32 : memref<!tpu.dma_semaphore, #tpu.memory_space<semaphore_mem>>) src(%arg30 : memref<64x32xf32, #tpu.memory_space<vmem>>) dst(%dma_wait3A_305 : memref<64x32xf32, #tpu.memory_space<hbm>>)
      %dma_wait3A_306 = arith.constant 0 : i32
      %dma_wait3A_307 = tpu.memref_slice %arg6[%add3A_245, %dma_wait3A_306] : memref<204800x128xf32, #tpu.memory_space<hbm>> -> memref<64x128xf32, #tpu.memory_space<hbm>>
      %dma_wait3A_308 = arith.constant 0 : i32
      %dma_wait3A_309 = tpu.memref_slice %arg6[%add3A_245, %dma_wait3A_308] : memref<204800x128xf32, #tpu.memory_space<hbm>> -> memref<64x128xf32, #tpu.memory_space<hbm>>
      tpu.wait_dma2 semaphore(%arg37 : memref<!tpu.dma_semaphore, #tpu.memory_space<semaphore_mem>>) src(%arg33 : memref<64x128xf32, #tpu.memory_space<vmem>>) dst(%dma_wait3A_309 : memref<64x128xf32, #tpu.memory_space<hbm>>)
      %dma_wait3A_310 = arith.constant 0 : i32
      %dma_wait3A_311 = tpu.memref_slice %arg7[%add3A_245, %dma_wait3A_310] : memref<204800x64xf32, #tpu.memory_space<hbm>> -> memref<64x64xf32, #tpu.memory_space<hbm>>
      %dma_wait3A_312 = arith.constant 0 : i32
      %dma_wait3A_313 = tpu.memref_slice %arg7[%add3A_245, %dma_wait3A_312] : memref<204800x64xf32, #tpu.memory_space<hbm>> -> memref<64x64xf32, #tpu.memory_space<hbm>>
      tpu.wait_dma2 semaphore(%arg37 : memref<!tpu.dma_semaphore, #tpu.memory_space<semaphore_mem>>) src(%arg34 : memref<64x64xf32, #tpu.memory_space<vmem>>) dst(%dma_wait3A_313 : memref<64x64xf32, #tpu.memory_space<hbm>>)
      %dma_wait3A_314 = arith.constant 0 : i32
      %dma_wait3A_315 = tpu.memref_slice %arg8[%add3A_245, %dma_wait3A_314] : memref<204800x32xf32, #tpu.memory_space<hbm>> -> memref<64x32xf32, #tpu.memory_space<hbm>>
      %dma_wait3A_316 = arith.constant 0 : i32
      %dma_wait3A_317 = tpu.memref_slice %arg8[%add3A_245, %dma_wait3A_316] : memref<204800x32xf32, #tpu.memory_space<hbm>> -> memref<64x32xf32, #tpu.memory_space<hbm>>
      tpu.wait_dma2 semaphore(%arg37 : memref<!tpu.dma_semaphore, #tpu.memory_space<semaphore_mem>>) src(%arg35 : memref<64x32xf32, #tpu.memory_space<vmem>>) dst(%dma_wait3A_317 : memref<64x32xf32, #tpu.memory_space<hbm>>)
    }
    %scan3A_13 = arith.constant 20 : i32
    return
  }
}

module attributes {stable_mosaic.version = 14 : i64} {
  func.func @body(%arg0: i32, %arg1: memref<4096x1xi32, #tpu.memory_space<vmem>>, %arg2: memref<4096x128xf32, #tpu.memory_space<vmem>>, %arg3: memref<4096x64xf32, #tpu.memory_space<vmem>>, %arg4: memref<4096x32xf32, #tpu.memory_space<vmem>>, %arg5: memref<64x128xf32, #tpu.memory_space<vmem>>, %arg6: memref<32x128xf32, #tpu.memory_space<vmem>>, %arg7: memref<4096x128xf32, #tpu.memory_space<vmem>>) attributes {dimension_semantics = [#tpu.dimension_semantics<arbitrary>], iteration_bounds = array<i64: 50>, scalar_prefetch = 0 : i64, scratch_operands = 0 : i64, tpu.core_type = #tpu.core_type<tc>, window_params = [{transform_indices = @transform_0, window_bounds = array<i64: 4096, 1>}, {transform_indices = @transform_1, window_bounds = array<i64: 4096, 128>}, {transform_indices = @transform_2, window_bounds = array<i64: 4096, 64>}, {transform_indices = @transform_3, window_bounds = array<i64: 4096, 32>}, {pipeline_mode = #tpu.pipeline_mode<synchronous>, transform_indices = @transform_4, window_bounds = array<i64: 64, 128>}, {pipeline_mode = #tpu.pipeline_mode<synchronous>, transform_indices = @transform_5, window_bounds = array<i64: 32, 128>}, {transform_indices = @transform_6, window_bounds = array<i64: 4096, 128>}]} {
    %get3A = arith.constant 0 : index
    %get3A_0 = arith.constant 0 : index
    %get3A_1 = vector.load %arg1[%get3A, %get3A_0] : memref<4096x1xi32, #tpu.memory_space<vmem>>, vector<4096x1xi32>
    %ge3A = arith.constant 0 : i32
    %ge3A_2 = vector.broadcast %ge3A : i32 to vector<4096x1xi32>
    %ge3A_3 = arith.cmpi sge, %get3A_1, %ge3A_2 : vector<4096x1xi32>
    %lt3A = arith.constant 20000 : i32
    %lt3A_4 = vector.broadcast %lt3A : i32 to vector<4096x1xi32>
    %lt3A_5 = arith.cmpi slt, %get3A_1, %lt3A_4 : vector<4096x1xi32>
    %and3A = arith.andi %ge3A_3, %lt3A_5 : vector<4096x1xi1>
    %ge3A_6 = arith.constant 20000 : i32
    %ge3A_7 = vector.broadcast %ge3A_6 : i32 to vector<4096x1xi32>
    %ge3A_8 = arith.cmpi sge, %get3A_1, %ge3A_7 : vector<4096x1xi32>
    %lt3A_9 = arith.constant 100000 : i32
    %lt3A_10 = vector.broadcast %lt3A_9 : i32 to vector<4096x1xi32>
    %lt3A_11 = arith.cmpi slt, %get3A_1, %lt3A_10 : vector<4096x1xi32>
    %and3A_12 = arith.andi %ge3A_8, %lt3A_11 : vector<4096x1xi1>
    %ge3A_13 = arith.constant 100000 : i32
    %ge3A_14 = vector.broadcast %ge3A_13 : i32 to vector<4096x1xi32>
    %ge3A_15 = arith.cmpi sge, %get3A_1, %ge3A_14 : vector<4096x1xi32>
    %lt3A_16 = arith.constant 1000000 : i32
    %lt3A_17 = vector.broadcast %lt3A_16 : i32 to vector<4096x1xi32>
    %lt3A_18 = arith.cmpi slt, %get3A_1, %lt3A_17 : vector<4096x1xi32>
    %and3A_19 = arith.andi %ge3A_15, %lt3A_18 : vector<4096x1xi1>
    %get3A_20 = arith.constant 0 : index
    %get3A_21 = arith.constant 0 : index
    %get3A_22 = vector.load %arg3[%get3A_20, %get3A_21] : memref<4096x64xf32, #tpu.memory_space<vmem>>, vector<4096x64xf32>
    %get3A_23 = arith.constant 0 : index
    %get3A_24 = arith.constant 0 : index
    %get3A_25 = vector.load %arg5[%get3A_23, %get3A_24] : memref<64x128xf32, #tpu.memory_space<vmem>>, vector<64x128xf32>
    %dot_general3A = arith.constant dense<0.000000e+00> : vector<4096x128xf32>
    %dot_general3A_26 = tpu.matmul %get3A_22, %get3A_25, %dot_general3A {dimension_numbers = #tpu.dot_dimension_numbers<[1], [0], [0], [1], [0, 0, 1, 1], [], []>, transpose_lhs_hint = false} : vector<4096x64xf32>, vector<64x128xf32>, vector<4096x128xf32> -> vector<4096x128xf32>
    %get3A_27 = arith.constant 0 : index
    %get3A_28 = arith.constant 0 : index
    %get3A_29 = vector.load %arg4[%get3A_27, %get3A_28] : memref<4096x32xf32, #tpu.memory_space<vmem>>, vector<4096x32xf32>
    %get3A_30 = arith.constant 0 : index
    %get3A_31 = arith.constant 0 : index
    %get3A_32 = vector.load %arg6[%get3A_30, %get3A_31] : memref<32x128xf32, #tpu.memory_space<vmem>>, vector<32x128xf32>
    %dot_general3A_33 = arith.constant dense<0.000000e+00> : vector<4096x128xf32>
    %dot_general3A_34 = tpu.matmul %get3A_29, %get3A_32, %dot_general3A_33 {dimension_numbers = #tpu.dot_dimension_numbers<[1], [0], [0], [1], [0, 0, 1, 1], [], []>, transpose_lhs_hint = false} : vector<4096x32xf32>, vector<32x128xf32>, vector<4096x128xf32> -> vector<4096x128xf32>
    %broadcast_in_dim3A = arith.constant 0.000000e+00 : f32
    %broadcast_in_dim3A_35 = vector.broadcast %broadcast_in_dim3A : f32 to vector<4096x128xf32>
    %get3A_36 = arith.constant 0 : index
    %get3A_37 = arith.constant 0 : index
    %get3A_38 = vector.load %arg2[%get3A_36, %get3A_37] : memref<4096x128xf32, #tpu.memory_space<vmem>>, vector<4096x128xf32>
    %broadcast_in_dim3A_39 = vector.shape_cast %and3A : vector<4096x1xi1> to vector<4096x1xi1>
    %broadcast_in_dim3A_40 = vector.broadcast %broadcast_in_dim3A_39 : vector<4096x1xi1> to vector<4096x128xi1>
    %select_n3A = arith.select %broadcast_in_dim3A_40, %get3A_38, %broadcast_in_dim3A_35 : vector<4096x128xi1>, vector<4096x128xf32>
    %broadcast_in_dim3A_41 = vector.shape_cast %and3A_12 : vector<4096x1xi1> to vector<4096x1xi1>
    %broadcast_in_dim3A_42 = vector.broadcast %broadcast_in_dim3A_41 : vector<4096x1xi1> to vector<4096x128xi1>
    %select_n3A_43 = arith.select %broadcast_in_dim3A_42, %dot_general3A_26, %broadcast_in_dim3A_35 : vector<4096x128xi1>, vector<4096x128xf32>
    %add3A = arith.addf %select_n3A, %select_n3A_43 : vector<4096x128xf32>
    %broadcast_in_dim3A_44 = vector.shape_cast %and3A_19 : vector<4096x1xi1> to vector<4096x1xi1>
    %broadcast_in_dim3A_45 = vector.broadcast %broadcast_in_dim3A_44 : vector<4096x1xi1> to vector<4096x128xi1>
    %select_n3A_46 = arith.select %broadcast_in_dim3A_45, %dot_general3A_34, %broadcast_in_dim3A_35 : vector<4096x128xi1>, vector<4096x128xf32>
    %add3A_47 = arith.addf %add3A, %select_n3A_46 : vector<4096x128xf32>
    %swap3A = arith.constant 0 : index
    %swap3A_48 = arith.constant 0 : index
    %swap3A_49 = vector.load %arg7[%swap3A, %swap3A_48] : memref<4096x128xf32, #tpu.memory_space<vmem>>, vector<4096x128xf32>
    tpu.vector_store %arg7[%swap3A, %swap3A_48], %add3A_47 {strides = array<i32>} : memref<4096x128xf32, #tpu.memory_space<vmem>>, vector<4096x128xf32>,
    return
  }
  func.func @transform_0(%arg0: i32) -> (i32, i32) {
    %c0_i32 = arith.constant 0 : i32
    %c0_i32_0 = arith.constant 0 : i32
    return %arg0, %c0_i32 : i32, i32
  }
  func.func @transform_1(%arg0: i32) -> (i32, i32) {
    %c0_i32 = arith.constant 0 : i32
    %c0_i32_0 = arith.constant 0 : i32
    return %arg0, %c0_i32 : i32, i32
  }
  func.func @transform_2(%arg0: i32) -> (i32, i32) {
    %c0_i32 = arith.constant 0 : i32
    %c0_i32_0 = arith.constant 0 : i32
    return %arg0, %c0_i32 : i32, i32
  }
  func.func @transform_3(%arg0: i32) -> (i32, i32) {
    %c0_i32 = arith.constant 0 : i32
    %c0_i32_0 = arith.constant 0 : i32
    return %arg0, %c0_i32 : i32, i32
  }
  func.func @transform_4(%arg0: i32) -> (i32, i32) {
    %c0_i32 = arith.constant 0 : i32
    %c0_i32_0 = arith.constant 0 : i32
    %c0_i32_1 = arith.constant 0 : i32
    return %c0_i32, %c0_i32_0 : i32, i32
  }
  func.func @transform_5(%arg0: i32) -> (i32, i32) {
    %c0_i32 = arith.constant 0 : i32
    %c0_i32_0 = arith.constant 0 : i32
    %c0_i32_1 = arith.constant 0 : i32
    return %c0_i32, %c0_i32_0 : i32, i32
  }
  func.func @transform_6(%arg0: i32) -> (i32, i32) {
    %c0_i32 = arith.constant 0 : i32
    %c0_i32_0 = arith.constant 0 : i32
    return %arg0, %c0_i32 : i32, i32
  }
}

</mosaic_0001>

<sc_bundles>
// kernel: kernel.4.cloned.1.call-start
scs
__scs_entry_jumppad:
0x0: {  	(pc) =	sbr.rel $0x88, $3  }
0x1: {  	(tag) =	ssettag $0x0;
	lr =	simm.s32 $0x1  }
0x2: {  	[smem:$0x3F9B] =	sst lr;
	_ =	strace $0xD0000000  }
0x3: {  	_ = 	snop  }
0x4: {  	_ = 	snop  }
0x5: {  	_ = 	snop  }
0x6: {  	_ = 	snop  }
0x7: {  	_ = 	snop  }
__scs_overlays_trampoline_lowered:
0x8: {  	[smem:$0x3FAA] =	sst s0  }
0x9: {  	[smem:$0x3FAB] =	sst s1  }
0xa: {  	[smem:$0x3FAC] =	sst s2  }
0xb: {  	[smem:$0x3FAD] =	sst s3  }
0xc: {  	[smem:$0x3FAE] =	sst s4  }
0xd: {  	[smem:$0x3FAF] =	sst s5  }
0xe: {  	[smem:$0x3FB0] =	sst s6  }
0xf: {  	[smem:$0x3FB1] =	sst s7  }
0x10: {  	[smem:$0x3FB2] =	sst s8  }
0x11: {  	[smem:$0x3FB3] =	sst s9;
	s0 =	simm.s32 @!p0 $0x0  }
0x12: {  	s1 =	sld [smem:$0x3F99];
	s0 =	simm.s32 @p0 $0x1  }
0x13: {  	[smem:$0x3FB4] =	sst s0;
	s0 =	simm.s32 @!p1 $0x0  }
0x14: {  	s2 =	sld [smem:$0x3F98];
	s0 =	simm.s32 @p1 $0x1  }
0x15: {  	[smem:$0x3FB5] =	sst s0;
	s0 =	simm.s32 @!p2 $0x0  }
0x16: {  	s3 =	sld [smem:$0x3FDB];
	s0 =	simm.s32 @p2 $0x1  }
0x17: {  	s4 =	simm.s32 $0x1BF5;
	[smem:$0x3FB7] =	sst s0  }
0x18: {  	s0 =	sld [smem:$0x3F9A];
	_ =	swait.ge [sflag:s4], $0x0  }
0x19: {  	s7 =	sld [smem:$0x3F9B]  }
0x1a: {  	s8 =	sadd.s32 $0xFFFFE003, lr  }
0x1b: {  	s9 =	sadd.s32 $0xFFFFFEF7, lr;
	s5 =	simm.s32 $0xFFFFFFFF;
	p2 =	slt.u32 s8, $0xFFFFF086  }
0x1c: {  	p1 =	slt.u32 s9, $0xF7A;
	s5 =	simm.s32 @!p2 $0x0  }
0x1d: {  	s5 =	simm.s32 @p1 $0x1;
	p0 =	seq.s32 s7, s2  }
0x1e: {  	s7 =	smul.u32 @!p0 $0xF7A, s2;
	p2 =	seq.s32 @!p0 s5, $0x0  }
0x1f: {  	s9 =	smul.u32 $0xF7A, s1;
	s8 =	simm.s32 @!p0 $0x1BF5;
	p2 =	por !p2, p0  }
0x20: {  	[sflag:s8] =	ssyncset.s32 @!p0 $0xFFFFF086;
	s6 =	sadd.s32 @!p0 s3, s7;
	s7 =	simm.s32 @!p0 $0x108  }
0x21: {  	s3 =	sadd.s32 s3, s9;
	s6 =	sadd.s32 @!p0 $0x88, s6;
	s7 =	simm.s32 @p2 $0x1082  }
0x22: {  	[simem:s7], [sflag:s8] =	dma.local @!p0 [hbm:s6], $0xF7A  }
0x23: {  	s9 =	sor.u32 $0xD0000000, s2;
	s6 =	simm.s32 $0x108;
	_ =	swait.ge @!p0 [sflag:s8], $0x0  }
0x24: {  	s3 =	sadd.s32 $0x88, s3;
	s6 =	simm.s32 @!p1 $0x1082;
	[sflag:s4] =	ssyncset.s32 $0xFFFFF086  }
0x25: {  	[simem:s6], [sflag:s4] =	dma.local [hbm:s3], $0xF7A  }
0x26: {  	[smem:$0x3F9B] =	sst s1;
	(tag) =	ssettag s2;
	_ =	strace s9  }
0x27: {  	s1 =	sld [smem:$0x3FAB]  }
0x28: {  	s2 =	sld [smem:$0x3FAC]  }
0x29: {  	s4 =	sld [smem:$0x3FAE]  }
0x2a: {  	p0 =	seq.s32 s5, $0x0;
	s5 =	sld [smem:$0x3FAF]  }
0x2b: {  	s6 =	sld [smem:$0x3FB0]  }
0x2c: {  	s7 =	sld [smem:$0x3FB1]  }
0x2d: {  	s3 =	simm.s32 $0x108;
	s8 =	sld [smem:$0x3FB2]  }
0x2e: {  	s3 =	simm.s32 @!p0 $0x1082;
	s9 =	sld [smem:$0x3FB3]  }
0x2f: {  	lr =	sadd.s32 s0, s3;
	s0 =	sld [smem:$0x3FAA]  }
0x30: {  	s3 =	sld [smem:$0x3FAD]  }
0x31: {  	[smem:$0x3FB6] =	sst s10  }
0x32: {  	s10 =	sld [smem:$0x3FB4];
	_ =	sdelay $0x3  }
0x33: {  	p0 =	seq.s32 s10, $0x1;
	s10 =	sld [smem:$0x3FB6];
	_ =	sdelay $0x3  }
0x34: {  	[smem:$0x3FB6] =	sst s10  }
0x35: {  	s10 =	sld [smem:$0x3FB5];
	_ =	sdelay $0x3  }
0x36: {  	p1 =	seq.s32 s10, $0x1;
	s10 =	sld [smem:$0x3FB6];
	_ =	sdelay $0x3  }
0x37: {  	[smem:$0x3FB6] =	sst s10  }
0x38: {  	s10 =	sld [smem:$0x3FB7]  }
0x39: {  	_ = 	snop;
	(pc) =	sbr.ind lr, $3  }
0x3a: {  	_ = 	snop  }
0x3b: {  	_ = 	snop  }
0x3c: {  	p2 =	seq.s32 s10, $0x1;
	s10 =	sld [smem:$0x3FB6]  }
0x3d: {  	_ =	shalt  }
0x3e: {  	_ =	shalt  }
0x3f: {  	_ =	shalt  }
0x40: {  	_ =	shalt  }
0x41: {  	_ =	shalt  }
0x42: {  	_ =	shalt  }
0x43: {  	_ =	shalt  }
0x44: {  	_ =	shalt  }
0x45: {  	_ =	shalt  }
0x46: {  	_ =	shalt  }
0x47: {  	_ =	shalt  }
0x48: {  	_ =	shalt  }
0x49: {  	_ =	shalt  }
0x4a: {  	_ =	shalt  }
0x4b: {  	_ =	shalt  }
0x4c: {  	_ =	shalt  }
0x4d: {  	_ =	shalt  }
0x4e: {  	_ =	shalt  }
0x4f: {  	_ =	shalt  }
0x50: {  	_ =	shalt  }
0x51: {  	_ =	shalt  }
0x52: {  	_ =	shalt  }
0x53: {  	_ =	shalt  }
0x54: {  	_ =	shalt  }
0x55: {  	_ =	shalt  }
0x56: {  	_ =	shalt  }
0x57: {  	_ =	shalt  }
0x58: {  	_ =	shalt  }
0x59: {  	_ =	shalt  }
0x5a: {  	_ =	shalt  }
0x5b: {  	_ =	shalt  }
0x5c: {  	_ =	shalt  }
0x5d: {  	_ =	shalt  }
0x5e: {  	_ =	shalt  }
0x5f: {  	_ =	shalt  }
0x60: {  	_ =	shalt  }
0x61: {  	_ =	shalt  }
0x62: {  	_ =	shalt  }
0x63: {  	_ =	shalt  }
0x64: {  	_ =	shalt  }
0x65: {  	_ =	shalt  }
0x66: {  	_ =	shalt  }
0x67: {  	_ =	shalt  }
0x68: {  	_ =	shalt  }
0x69: {  	_ =	shalt  }
0x6a: {  	_ =	shalt  }
0x6b: {  	_ =	shalt  }
0x6c: {  	_ =	shalt  }
0x6d: {  	_ =	shalt  }
0x6e: {  	_ =	shalt  }
0x6f: {  	_ =	shalt  }
0x70: {  	_ =	shalt  }
0x71: {  	_ =	shalt  }
0x72: {  	_ =	shalt  }
0x73: {  	_ =	shalt  }
0x74: {  	_ =	shalt  }
0x75: {  	_ =	shalt  }
0x76: {  	_ =	shalt  }
0x77: {  	_ =	shalt  }
0x78: {  	_ =	shalt  }
0x79: {  	_ =	shalt  }
0x7a: {  	_ =	shalt  }
0x7b: {  	_ =	shalt  }
0x7c: {  	_ =	shalt  }
0x7d: {  	_ =	shalt  }
0x7e: {  	_ =	shalt  }
0x7f: {  	_ =	shalt  }
0x80: {  	_ =	shalt  }
0x81: {  	_ =	shalt  }
0x82: {  	_ =	shalt  }
0x83: {  	_ =	shalt  }
0x84: {  	_ =	shalt  }
0x85: {  	_ =	shalt  }
0x86: {  	_ =	shalt  }
0x87: {  	_ =	shalt  }
.Lfunc_end0:
.L_simem_size_0:
called_computation.1_lowered:
.L_overlay_start_0:
0x88: {  	s2 =	sld [smem:$0x3FD9]  }
0x89: {  	s3 =	sld [smem:$0x3FFE];
	_ =	sdelay $0x1  }
0x8a: {  	s1 =	srdreg.scid  }
0x8b: {  	s0 =	sand.u32 $0x1, s1  }
0x8c: {  	s17 =	sshll.u32 s0, $0xA;
	s2 =	sadd.s32 s3, s2  }
0x8d: {  	s2 =	sadd.s32 s2, s17  }
0x8e: {  	[smem:$0x3FC2] =	sst s2  }
0x8f: {  	_ = 	snop  }
0x90: {  	s2 =	sld [smem:$0x3FC8];
	(tm) =	ssettm $0x1  }
0x91: {  	s18 =	sld [smem:$0x3FFB];
	_ =	sdelay $0x3  }
0x92: {  	_ =	strace s18  }
0x93: {  	s3 =	sld [smem:$0x3FFC];
	_ =	sdelay $0x3  }
0x94: {  	_ =	strace s3  }
0x95: {  	s3 =	sld [smem:$0x3FFD];
	_ =	sdelay $0x3  }
0x96: {  	_ =	strace s3  }
0x97: {  	_ =	strace $0x8FFFFFFF  }
0x98: {  	s19 =	sld [smem:$0x3FDB];
	_ =	sdelay $0x1  }
0x99: {  	s4 =	simm.s32 $_scs_section_size  }
0x9a: {  	s5 =	simm.s32 $_size__tile_overlayer_lowered;
	s6 =	simm.s32 $_tile_overlayer_lowered  }
0x9b: {  	s22 =	simm.s32 $0x1BFF;
	s21 =	sshll.u32 s6, $0x1;
	s3 =	sadd.s32 s4, s19  }
0x9c: {  	s7 =	simm.s32 $0x0;
	s20 =	sshll.u32 s5, $0x1;
	s5 =	sadd.s32 s21, s3  }
0x9d: {  	[timem:s7], [sflag:s22] =	dma.local [hbm:s5], s20  }
0x9e: {  	_ =	swait.ge [sflag:s22], s20  }
0x9f: {  	s4 =	ssub.s32 $0x0, s20;
	[sflag:s22] =	ssyncset.done $0x0  }
0xa0: {  	[sflag:s22] =	ssyncadd.s32 s4;
	_ =	sdelay $0x1  }
0xa1: {  	s23 =	simm.s32 $0x1B8B  }
0xa2: {  	_ =	swait.ge [sflag:s23], $0x1  }
0xa3: {  	[sflag:s23] =	ssyncset.done $0x0  }
0xa4: {  	s25 =	simm.s32 $0x1B8E;
	s24 =	sld [smem:$0x3FFE];
	[sflag:s23] =	ssyncadd.s32 $0xFFFFFFFF  }
0xa5: {  	s26 =	simm.s32 $execute0_lowered;
	[smem:$0x3FD2] =	sst s25  }
0xa6: {  	s5 =	sshll.u32 s26, $0x1;
	_ =	strace $0x80000046;
	[dreg:$0x1] =	wrdreg $0xFFFFFFFF  }
0xa7: {  	s28 =	simm.s32 $_size_execute0_lowered;
	s3 =	sadd.s32 s3, s5;
	[dreg:$0x0] =	wrdreg $0x0  }
0xa8: {  	s5 =	sshll.u32 s28, $0x1;
	[dreg:$0x2] =	wrdreg s3  }
0xa9: {  	[dreg:$0x3] =	wrdreg s5  }
0xaa: {  	[dreg:$0x4] =	wrdreg $0xC0  }
0xab: {  	_ =	task [dreg:s7], $0x5FFFF  }
0xac: {  	[dreg:$0x1] =	wrdreg $0xFFFFFFFF  }
0xad: {  	[dreg:$0x0] =	wrdreg $0x60  }
0xae: {  	[dreg:$0x2] =	wrdreg s24  }
0xaf: {  	[dreg:$0x3] =	wrdreg s2  }
0xb0: {  	[dreg:$0x4] =	wrdreg $0x9  }
0xb1: {  	_ =	task.clear_ibuf [dreg:s7], $0x5FFFF;
	_ =	strace $0x90000046  }
0xb2: {  	s29 =	simm.s32 $0x9;
	_ =	strace $0x80000048  }
0xb3: {  	_ =	swait.ge [sflag:s29], $0x1  }
0xb4: {  	[sflag:s29] =	ssyncadd.s32 $0xFFFFFFFF  }
0xb5: {  	_ =	strace $0x90000048  }
0xb6: {  	_ =	sfence  }
0xb7: {  	s30 =	sld [smem:$0x0];
	_ =	sdelay $0x2  }
0xb8: {  	s31 =	sshll.u32 s1, $0xD;
	s1 =	sshrl.u32 s1, $0x2  }
0xb9: {  	s3 =	sand.u32 $0x4000, s31;
	s1 =	sadd.s32 s1, s30  }
0xba: {  	s0 =	sor.u32 s3, s0;
	s1 =	sshll.u32 s1, $0x11  }
0xbb: {  	s0 =	sor.u32 s1, s0  }
0xbc: {  	s0 =	sadd.s32 $0x8F2B, s0  }
0xbd: {  	[sflag:s0] =	ssyncadd.remote.s32 $0x1  }
0xbe: {  	_ =	sfence.sel $0xFFFF  }
0xbf: {  	[dreg:$0x0] =	wrdreg $0xFFFFFFFF;
	(pc) =	sbr.abs _section_cstart, $3  }
0xc0: {  	[dreg:$0x1] =	wrdreg $0xFFFFFFFF  }
0xc1: {  	_ =	task.clear_ibuf [dreg:s7], $0x2FFFF;
	_ =	strace $0x9FFFFFFF  }
0xc2: {  	(tm) =	ssettm $0x7FFFFFFF  }
0xc3: {  	_ =	shalt  }
tec
execute0_lowered:
.L_overlay_start_1:
0x0: {  	(tag) =	ssettag $0x1  }
0x1: {  	s0 =	srdreg.scid;
	s14 =	stileid.u32  }
0x2: {  	s1 =	rddreg [dreg:$0x0];
	s13 =	simm.s32 $0x0;
	s28 =	simm.s32 $0x10C00  }
0x3: {  	s29 =	simm.s32 $0x12C00;
	s30 =	simm.s32 $0x13C00;
	s0 =	sand.u32 $0x1, s0  }
0x4: {  	s3 =	sshll.u32 s14, $0x1;
	[smem:$0x7FF] =	sst s13;
	s2 =	sadd.s32 $0xDD3400, s1  }
0x5: {  	s7 =	sadd.s32 $0x30BE00, s1;
	s8 =	smul.u32 $0x3200, s14;
	s18 =	sadd.s32 $0x17A00, s1  }
0x6: {  	s9 =	sadd.s32 $0x17BE00, s1;
	s11 =	smul.u32 $0xC800, s14;
	s4 =	sor.u32 s0, s3  }
0x7: {  	_ =	strace $0x80000047;
	[dreg:$0xc] =	wrdreg s2;
	s19 =	smul.u32 $0x1900, s0  }
0x8: {  	[dreg:$0x17] =	wrdreg s18;
	s10 =	ssub.s32 $0x2, s0;
	s4 =	smul.u32 $0x1900, s4  }
0x9: {  	[dreg:$0xe] =	wrdreg s9;
	s20 =	smul.u32 $0x6400, s0;
	s12 =	sshrl.u32 s10, $0x1  }
0xa: {  	s8 =	sadd.s32 s19, s8;
	s21 =	ssub.s32 s10, s12;
	s5 =	sshrl.u32 s4, $0x3  }
0xb: {  	s23 =	sadd.s32 $0x100, s8;
	s31 =	sor.u32 $0xC0, s8;
	s9 =	smax.u32 s21, $0x1  }
0xc: {  	s21 =	smul.u32 $0x19000, s14;
	s6 =	sadd.s32 s5, s1;
	s1 =	sadd.s32 $0xB3E00, s1  }
0xd: {  	s25 =	sshrl.u32 s23, $0x6;
	[dreg:$0x10] =	wrdreg s9;
	s2 =	sshrl.u32 s31, $0x6  }
0xe: {  	s5 =	sor.u32 $0x80, s8;
	s8 =	sor.u32 $0x40, s8;
	s22 =	sadd.s32 s11, s1  }
0xf: {  	s6 =	sadd.s32 $0x11600, s6;
	s26 =	sshll.u32 s25, $0x9;
	s3 =	sshll.u32 s25, $0xA  }
0x10: {  	s4 =	sshll.u32 s2, $0x8;
	s12 =	sshrl.u32 s5, $0x6;
	s15 =	sshll.u32 s2, $0x9  }
0x11: {  	s18 =	sshrl.u32 s8, $0x6;
	s5 =	simm.s32 $0x4;
	[dreg:$0xf] =	wrdreg s6  }
0x12: {  	s24 =	sadd.s32 s20, s22;
	[dreg:$0x4] =	wrdreg s26;
	s9 =	sadd.s32 s3, s7  }
0x13: {  	s10 =	sadd.s32 s4, s1;
	s11 =	sshll.u32 s12, $0x8;
	[dreg:$0x6] =	wrdreg s15  }
0x14: {  	s6 =	sshll.u32 s2, $0xA;
	s17 =	sshll.u32 s12, $0x9;
	s19 =	sshll.u32 s12, $0xA  }
0x15: {  	s20 =	sshll.u32 s18, $0x8;
	s22 =	smul.u32 $0xC800, s0;
	[dreg:$0x3] =	wrdreg s24  }
0x16: {  	s23 =	sshll.u32 s18, $0x9;
	s25 =	sshll.u32 s18, $0xA;
	[dreg:$0x11] =	wrdreg s9  }
0x17: {  	s0 =	smul.u32 $0x19000, s0;
	s15 =	simm.s32 $0x40;
	[dreg:$0x5] =	wrdreg s10  }
0x18: {  	s18 =	simm.s32 $0x6400;
	s12 =	simm.s32 $0x8;
	[dreg:$0x8] =	wrdreg s17  }
0x19: {  	s16 =	sadd.s32 s11, s1;
	s6 =	sadd.s32 s6, s7;
	[dreg:$0xa] =	wrdreg s23  }
0x1a: {  	s8 =	sadd.s32 s19, s7;
	s1 =	sadd.s32 s20, s1;
	[dreg:$0x7] =	wrdreg s16  }
0x1b: {  	s24 =	smul.u32 $0x32000, s14;
	s19 =	simm.s32 $0x8400;
	[dreg:$0x12] =	wrdreg s6  }
0x1c: {  	s20 =	simm.s32 $0x9400;
	s23 =	simm.s32 $0x10400;
	[dreg:$0x13] =	wrdreg s8  }
0x1d: {  	s9 =	simm.s32 $0x2;
	s10 =	simm.s32 $0x6;
	[dreg:$0x9] =	wrdreg s1  }
0x1e: {  	s1 =	sadd.s32 s25, s7;
	s26 =	sadd.s32 s22, s21;
	s22 =	simm.s32 $0x9C00  }
0x1f: {  	s21 =	simm.s32 $0xF400;
	s8 =	simm.s32 $0x9;
	[dreg:$0x14] =	wrdreg s1  }
0x20: {  	s16 =	simm.s32 $0x0;
	s31 =	sadd.s32 s24, s7;
	[dreg:$0xb] =	wrdreg s26  }
0x21: {  	s24 =	simm.s32 $0xBC00;
	s1 =	simm.s32 $0xCC00;
	s0 =	sadd.s32 s0, s31  }
0x22: {  	s26 =	simm.s32 $0xD400;
	[dreg:$0x15] =	wrdreg s0;
	s0 =	simm.s32 $0x14400  }
.LBB2_1:
0x23: {  	[dreg:$0x16] =	wrdreg s16  }
0x24: {  	s6 =	rddreg [dreg:$0xf];
	s31 =	simm.s32 $0xB  }
0x25: {  	[tilespmem:s13], [sflag:$0xB] =	stream.linear.gather [hbm4b:s6+s13], $0x1900, $0x38;
	[tilespmem:$0x17C00] =	vst v63  }
0x26: {  	_ =	swait.ge [sflag:s31], $0x1900  }
0x27: {  	[sflag:s31] =	ssyncset.done $0x0  }
0x28: {  	s6 =	simm.s32 $0x0;
	[sflag:s31] =	ssyncadd.s32 $0xFFFFE700  }
0x29: {  	v0 =	vld [tilespmem:s6+$0x0];
	_ =	sdelay $0x3  }
0x2a: {  	s16 =	simm.s32 $0x40;
	s3 =	simm.s32 $0x0  }
.LBB2_2:
0x2b: {  	s17 =	sshra.s32 s16, $0x2;
	p0 =	sne.s32 s16, $0x63C0;
	s16 =	sadd.s32 $0x40, s16;
	vm0 =	vgt.s32 v0, $0x0;
	v1 =	vadd.s32 $0xFFFFB1E0, v0;
	v2 =	vadd.s32 $0xFFFE7960, v0  }
.Ltmp0:
0x2c: {  	v3 =	vnsel vm0, $0x0, v0;
	v0 =	vld [tilespmem:s17+$0x0];
	vm0 =	vgt.s32 v1, $0x0;
	vm1 =	vgt.s32 v2, $0x0;
	(pc) =	sbr.rel @p0 .LBB2_2-.Ltmp0, $4  }
0x2d: {  	v3 =	vmin.u32 v3, $0x4E1F;
	v1 =	vnsel vm0, $0x0, v1;
	v2 =	vnsel vm1, $0x0, v2  }
0x2e: {  	[tilespmem:s6+$0x1900] =	vst v3;
	v1 =	vmin.u32 v1, $0x1387F;
	v2 =	vmin.u32 v2, $0xDBB9F  }
0x2f: {  	[tilespmem:s6+$0x4B00] =	vst v2  }
0x30: {  	[tilespmem:s6+$0x3200] =	vst v1;
	s6 =	smov.u32 s17  }
0x31: {  	vm0 =	vgt.s32 v0, $0x0;
	v1 =	vadd.s32 $0xFFFE7960, v0  }
0x32: {  	v2 =	vadd.s32 $0xFFFFB1E0, v0;
	v61 =	vnsel vm0, $0x0, v0;
	vm15 =	vgt.s32 v1, $0x0  }
0x33: {  	vm1 =	vgt.s32 v2, $0x0;
	v0 =	vmin.u32 v61, $0x4E1F;
	v1 =	vnsel vm15, $0x0, v1  }
0x34: {  	v2 =	vnsel vm1, $0x0, v2;
	[tilespmem:s6+$0x1900] =	vst v0;
	v62 =	vmin.u32 v1, $0xDBB9F  }
0x35: {  	v63 =	vmin.u32 v2, $0x1387F;
	[tilespmem:s6+$0x4B00] =	vst v62  }
0x36: {  	s13 =	simm.s32 $0x1900;
	s2 =	rddreg [dreg:$0x1];
	[tilespmem:s6+$0x3200] =	vst v63  }
0x37: {  	[tilespmem:s18], [sflag:$0x1] =	stream.indirect.gather [hbm4b:s2+s15], $0x80, s13, s15, $0xb8;
	[tilespmem:$0x17C00] =	vst v63  }
0x38: {  	s14 =	simm.s32 $0x3200;
	s11 =	rddreg [dreg:$0x17]  }
0x39: {  	[tilespmem:s19], [sflag:$0x1] =	stream.indirect.gather [hbm4b:s11+s15], $0x40, s14, s15, $0xb8;
	[tilespmem:$0x17C00] =	vst v63  }
0x3a: {  	s16 =	simm.s32 $0x4B00;
	s25 =	rddreg [dreg:$0xc]  }
0x3b: {  	[tilespmem:s20], [sflag:$0x1] =	stream.indirect.gather [hbm4b:s25+s15], $0x20, s16, s15, $0xb8;
	[tilespmem:$0x17C00] =	vst v63  }
0x3c: {  	s17 =	simm.s32 $0x1940  }
0x3d: {  	[tilespmem:s22], [sflag:$0x3] =	stream.indirect.gather [hbm4b:s2+s15], $0x80, s17, s15, $0xb8;
	[tilespmem:$0x17C00] =	vst v63  }
0x3e: {  	s31 =	simm.s32 $0x3240  }
0x3f: {  	[tilespmem:s24], [sflag:$0x3] =	stream.indirect.gather [hbm4b:s11+s15], $0x40, s31, s15, $0xb8;
	[tilespmem:$0x17C00] =	vst v63  }
0x40: {  	s4 =	simm.s32 $0x4B40  }
0x41: {  	[tilespmem:s1], [sflag:$0x3] =	stream.indirect.gather [hbm4b:s25+s15], $0x20, s4, s15, $0xb8;
	[tilespmem:$0x17C00] =	vst v63  }
0x42: {  	s7 =	simm.s32 $0x1980  }
0x43: {  	[tilespmem:s26], [sflag:$0x5] =	stream.indirect.gather [hbm4b:s2+s15], $0x80, s7, s15, $0xb8;
	[tilespmem:$0x17C00] =	vst v63  }
0x44: {  	s13 =	simm.s32 $0x3280  }
0x45: {  	[tilespmem:s21], [sflag:$0x5] =	stream.indirect.gather [hbm4b:s11+s15], $0x40, s13, s15, $0xb8;
	[tilespmem:$0x17C00] =	vst v63  }
0x46: {  	s14 =	simm.s32 $0x4B80  }
0x47: {  	[tilespmem:s23], [sflag:$0x5] =	stream.indirect.gather [hbm4b:s25+s15], $0x20, s14, s15, $0xb8;
	[tilespmem:$0x17C00] =	vst v63  }
0x48: {  	s16 =	simm.s32 $0x19C0  }
0x49: {  	[tilespmem:s28], [sflag:$0x7] =	stream.indirect.gather [hbm4b:s2+s15], $0x80, s16, s15, $0xb8;
	[tilespmem:$0x17C00] =	vst v63  }
0x4a: {  	s17 =	simm.s32 $0x32C0  }
0x4b: {  	[tilespmem:s29], [sflag:$0x7] =	stream.indirect.gather [hbm4b:s11+s15], $0x40, s17, s15, $0xb8;
	[tilespmem:$0x17C00] =	vst v63  }
0x4c: {  	s21 =	simm.s32 $0x4BC0  }
0x4d: {  	[tilespmem:s30], [sflag:$0x7] =	stream.indirect.gather [hbm4b:s25+s15], $0x20, s21, s15, $0xb8;
	[tilespmem:$0x17C00] =	vst v63  }
0x4e: {  	s23 =	simm.s32 $0x1A00  }
0x4f: {  	[tilespmem:s0], [sflag:$0x9] =	stream.indirect.gather [hbm4b:s2+s15], $0x80, s23, s15, $0xb8;
	[tilespmem:$0x17C00] =	vst v63  }
0x50: {  	s31 =	simm.s32 $0x3300;
	s4 =	simm.s32 $0x16400  }
0x51: {  	[tilespmem:s4], [sflag:$0x9] =	stream.indirect.gather [hbm4b:s11+s15], $0x40, s31, s15, $0xb8;
	[tilespmem:$0x17C00] =	vst v63  }
0x52: {  	s7 =	simm.s32 $0x17400;
	s13 =	simm.s32 $0x1;
	s2 =	simm.s32 $0x4C00  }
0x53: {  	[tilespmem:s7], [sflag:$0x9] =	stream.indirect.gather [hbm4b:s25+s15], $0x20, s2, s15, $0xb8;
	[tilespmem:$0x17C00] =	vst v63  }
0x54: {  	_ =	swait.ge [sflag:s13], $0x2000  }
0x55: {  	[sflag:s13] =	ssyncset.done $0x0  }
0x56: {  	[sflag:s13] =	ssyncadd.s32 $0xFFFFE000  }
0x57: {  	_ =	swait.ge [sflag:s13], $0x1000  }
0x58: {  	[sflag:s13] =	ssyncset.done $0x0  }
0x59: {  	[sflag:s13] =	ssyncadd.s32 $0xFFFFF000  }
0x5a: {  	_ =	swait.ge [sflag:s13], $0x800  }
0x5b: {  	s14 =	rddreg [dreg:$0xb]  }
0x5c: {  	[sflag:s13] =	ssyncset.done $0x0;
	s21 =	rddreg [dreg:$0x15]  }
0x5d: {  	s23 =	rddreg [dreg:$0xe];
	[sflag:s13] =	ssyncadd.s32 $0xFFFFF800  }
0x5e: {  	[hbm4b:s21+s3] =	stream.linear.scatter [tilespmem:s18], [sflag:$0x2], $0x2000, $0x38;
	[tilespmem:$0x17C00] =	vst v63  }
0x5f: {  	s16 =	rddreg [dreg:$0x3];
	s6 =	sadd.s32 s23, s14  }
0x60: {  	[hbm4b:s6+s3] =	stream.linear.scatter [tilespmem:s19], [sflag:$0x2], $0x1000, $0x38;
	[tilespmem:$0x17C00] =	vst v63  }
0x61: {  	s17 =	simm.s32 $0x3;
	s6 =	sadd.s32 $0x0, s16  }
0x62: {  	[hbm4b:s6+s3] =	stream.linear.scatter [tilespmem:s20], [sflag:$0x2], $0x800, $0x38;
	[tilespmem:$0x17C00] =	vst v63  }
0x63: {  	_ =	swait.ge [sflag:s17], $0x2000  }
0x64: {  	[sflag:s17] =	ssyncset.done $0x0  }
0x65: {  	[sflag:s17] =	ssyncadd.s32 $0xFFFFE000  }
0x66: {  	_ =	swait.ge [sflag:s17], $0x1000  }
0x67: {  	[sflag:s17] =	ssyncset.done $0x0  }
0x68: {  	[sflag:s17] =	ssyncadd.s32 $0xFFFFF000  }
0x69: {  	_ =	swait.ge [sflag:s17], $0x800  }
0x6a: {  	[sflag:s17] =	ssyncset.done $0x0;
	s19 =	rddreg [dreg:$0xa]  }
0x6b: {  	s20 =	rddreg [dreg:$0x14];
	[sflag:s17] =	ssyncadd.s32 $0xFFFFF800  }
0x6c: {  	[hbm4b:s20+s3] =	stream.linear.scatter [tilespmem:s22], [sflag:$0x4], $0x2000, $0x38;
	[tilespmem:$0x17C00] =	vst v63  }
0x6d: {  	s17 =	rddreg [dreg:$0x9];
	s16 =	sadd.s32 s23, s19  }
0x6e: {  	[hbm4b:s16+s3] =	stream.linear.scatter [tilespmem:s24], [sflag:$0x4], $0x1000, $0x38;
	[tilespmem:$0x17C00] =	vst v63  }
0x6f: {  	s22 =	sadd.s32 $0x0, s17;
	s24 =	simm.s32 $0x5  }
0x70: {  	[hbm4b:s22+s3] =	stream.linear.scatter [tilespmem:s1], [sflag:$0x4], $0x800, $0x38;
	[tilespmem:$0x17C00] =	vst v63  }
0x71: {  	_ =	swait.ge [sflag:s24], $0x2000  }
0x72: {  	[sflag:s24] =	ssyncset.done $0x0  }
0x73: {  	[sflag:s24] =	ssyncadd.s32 $0xFFFFE000  }
0x74: {  	_ =	swait.ge [sflag:s24], $0x1000  }
0x75: {  	[sflag:s24] =	ssyncset.done $0x0  }
0x76: {  	[sflag:s24] =	ssyncadd.s32 $0xFFFFF000  }
0x77: {  	_ =	swait.ge [sflag:s24], $0x800  }
0x78: {  	[sflag:s24] =	ssyncset.done $0x0;
	s31 =	rddreg [dreg:$0x8]  }
0x79: {  	s14 =	rddreg [dreg:$0x13];
	[sflag:s24] =	ssyncadd.s32 $0xFFFFF800  }
0x7a: {  	[hbm4b:s14+s3] =	stream.linear.scatter [tilespmem:s26], [sflag:$0x6], $0x2000, $0x38;
	[tilespmem:$0x17C00] =	vst v63  }
0x7b: {  	s18 =	simm.s32 $0xF400;
	s2 =	rddreg [dreg:$0x7];
	s16 =	sadd.s32 s23, s31  }
0x7c: {  	[hbm4b:s16+s3] =	stream.linear.scatter [tilespmem:s18], [sflag:$0x6], $0x1000, $0x38;
	[tilespmem:$0x17C00] =	vst v63  }
0x7d: {  	s13 =	simm.s32 $0x10400;
	s17 =	sadd.s32 $0x0, s2;
	s18 =	simm.s32 $0x7  }
0x7e: {  	[hbm4b:s17+s3] =	stream.linear.scatter [tilespmem:s13], [sflag:$0x6], $0x800, $0x38;
	[tilespmem:$0x17C00] =	vst v63  }
0x7f: {  	_ =	swait.ge [sflag:s18], $0x2000  }
0x80: {  	[sflag:s18] =	ssyncset.done $0x0  }
0x81: {  	[sflag:s18] =	ssyncadd.s32 $0xFFFFE000  }
0x82: {  	_ =	swait.ge [sflag:s18], $0x1000  }
0x83: {  	[sflag:s18] =	ssyncset.done $0x0  }
0x84: {  	[sflag:s18] =	ssyncadd.s32 $0xFFFFF000  }
0x85: {  	_ =	swait.ge [sflag:s18], $0x800  }
0x86: {  	[sflag:s18] =	ssyncset.done $0x0;
	s22 =	rddreg [dreg:$0x6]  }
0x87: {  	s26 =	rddreg [dreg:$0x12];
	[sflag:s18] =	ssyncadd.s32 $0xFFFFF800  }
0x88: {  	[hbm4b:s26+s3] =	stream.linear.scatter [tilespmem:s28], [sflag:$0x8], $0x2000, $0x38;
	[tilespmem:$0x17C00] =	vst v63  }
0x89: {  	s24 =	rddreg [dreg:$0x5];
	s16 =	sadd.s32 s23, s22  }
0x8a: {  	[hbm4b:s16+s3] =	stream.linear.scatter [tilespmem:s29], [sflag:$0x8], $0x1000, $0x38;
	[tilespmem:$0x17C00] =	vst v63  }
0x8b: {  	s28 =	sadd.s32 $0x0, s24  }
0x8c: {  	[hbm4b:s28+s3] =	stream.linear.scatter [tilespmem:s30], [sflag:$0x8], $0x800, $0x38;
	[tilespmem:$0x17C00] =	vst v63  }
0x8d: {  	_ =	swait.ge [sflag:s8], $0x2000  }
0x8e: {  	[sflag:s8] =	ssyncset.done $0x0  }
0x8f: {  	[sflag:s8] =	ssyncadd.s32 $0xFFFFE000  }
0x90: {  	_ =	swait.ge [sflag:s8], $0x1000  }
0x91: {  	[sflag:s8] =	ssyncset.done $0x0  }
0x92: {  	[sflag:s8] =	ssyncadd.s32 $0xFFFFF000  }
0x93: {  	_ =	swait.ge [sflag:s8], $0x800  }
0x94: {  	[sflag:s8] =	ssyncset.done $0x0;
	s29 =	rddreg [dreg:$0x4]  }
0x95: {  	s31 =	rddreg [dreg:$0x11];
	[sflag:s8] =	ssyncadd.s32 $0xFFFFF800  }
0x96: {  	[hbm4b:s31+s3] =	stream.linear.scatter [tilespmem:s0], [sflag:$0xA], $0x2000, $0x38;
	[tilespmem:$0x17C00] =	vst v63  }
0x97: {  	s16 =	sadd.s32 s23, s29  }
0x98: {  	[hbm4b:s16+s3] =	stream.linear.scatter [tilespmem:s4], [sflag:$0xA], $0x1000, $0x38;
	[tilespmem:$0x17C00] =	vst v63  }
0x99: {  	s6 =	sadd.s32 $0x400, s6  }
0x9a: {  	[hbm4b:s6+s3] =	stream.linear.scatter [tilespmem:s7], [sflag:$0xA], $0x800, $0x38;
	[tilespmem:$0x17C00] =	vst v63  }
0x9b: {  	_ =	swait.ge [sflag:s9], $0x2000  }
0x9c: {  	[sflag:s9] =	ssyncset.done $0x0  }
0x9d: {  	[sflag:s9] =	ssyncadd.s32 $0xFFFFE000  }
0x9e: {  	_ =	swait.ge [sflag:s9], $0x1000  }
0x9f: {  	[sflag:s9] =	ssyncset.done $0x0  }
0xa0: {  	[sflag:s9] =	ssyncadd.s32 $0xFFFFF000  }
0xa1: {  	_ =	swait.ge [sflag:s9], $0x800  }
0xa2: {  	[sflag:s9] =	ssyncset.done $0x0  }
0xa3: {  	[sflag:s9] =	ssyncadd.s32 $0xFFFFF800  }
0xa4: {  	_ =	swait.ge [sflag:s5], $0x2000  }
0xa5: {  	[sflag:s5] =	ssyncset.done $0x0  }
0xa6: {  	[sflag:s5] =	ssyncadd.s32 $0xFFFFE000  }
0xa7: {  	_ =	swait.ge [sflag:s5], $0x1000  }
0xa8: {  	[sflag:s5] =	ssyncset.done $0x0  }
0xa9: {  	[sflag:s5] =	ssyncadd.s32 $0xFFFFF000  }
0xaa: {  	_ =	swait.ge [sflag:s5], $0x800  }
0xab: {  	[sflag:s5] =	ssyncset.done $0x0  }
0xac: {  	[sflag:s5] =	ssyncadd.s32 $0xFFFFF800  }
0xad: {  	_ =	swait.ge [sflag:s10], $0x2000  }
0xae: {  	[sflag:s10] =	ssyncset.done $0x0  }
0xaf: {  	[sflag:s10] =	ssyncadd.s32 $0xFFFFE000  }
0xb0: {  	_ =	swait.ge [sflag:s10], $0x1000  }
0xb1: {  	[sflag:s10] =	ssyncset.done $0x0  }
0xb2: {  	[sflag:s10] =	ssyncadd.s32 $0xFFFFF000  }
0xb3: {  	_ =	swait.ge [sflag:s10], $0x800  }
0xb4: {  	[sflag:s10] =	ssyncset.done $0x0  }
0xb5: {  	[sflag:s10] =	ssyncadd.s32 $0xFFFFF800  }
0xb6: {  	_ =	swait.ge [sflag:s12], $0x2000  }
0xb7: {  	[sflag:s12] =	ssyncset.done $0x0  }
0xb8: {  	[sflag:s12] =	ssyncadd.s32 $0xFFFFE000  }
0xb9: {  	_ =	swait.ge [sflag:s12], $0x1000  }
0xba: {  	[sflag:s12] =	ssyncset.done $0x0  }
0xbb: {  	[sflag:s12] =	ssyncadd.s32 $0xFFFFF000  }
0xbc: {  	_ =	swait.ge [sflag:s12], $0x800  }
0xbd: {  	[sflag:s12] =	ssyncset.done $0x0  }
0xbe: {  	s30 =	simm.s32 $0xA;
	[sflag:s12] =	ssyncadd.s32 $0xFFFFF800  }
0xbf: {  	_ =	swait.ge [sflag:s30], $0x2000  }
0xc0: {  	s21 =	sadd.s32 $0x1400, s21;
	s20 =	sadd.s32 $0x1400, s20;
	[sflag:s30] =	ssyncset.done $0x0  }
0xc1: {  	s19 =	sadd.s32 $0x1400, s14;
	s17 =	simm.s32 $0x500;
	[sflag:s30] =	ssyncadd.s32 $0xFFFFE000  }
0xc2: {  	s13 =	simm.s32 $0x0;
	s22 =	simm.s32 $0xA00;
	_ =	swait.ge [sflag:s30], $0x1000  }
0xc3: {  	s18 =	sadd.s32 $0x1400, s26;
	s24 =	simm.s32 $0x140;
	[sflag:s30] =	ssyncset.done $0x0  }
0xc4: {  	s16 =	sadd.s32 $0xA00, s23;
	s6 =	sadd.s32 $0x1400, s31;
	[sflag:s30] =	ssyncadd.s32 $0xFFFFF000  }
0xc5: {  	s9 =	simm.s32 $0x9;
	s5 =	simm.s32 $0x4;
	_ =	swait.ge [sflag:s30], $0x800  }
0xc6: {  	s10 =	simm.s32 $0x2;
	s12 =	simm.s32 $0x6;
	[sflag:s30] =	ssyncset.done $0x0  }
.LBB2_4:
0xc7: {  	[sflag:s30] =	ssyncadd.s32 $0xFFFFF800  }
0xc8: {  	s26 =	sadd.s32 $0x1900, s24;
	s2 =	simm.s32 $0x6400;
	s28 =	rddreg [dreg:$0x1]  }
0xc9: {  	[tilespmem:s2], [sflag:$0x1] =	stream.indirect.gather [hbm4b:s28+s15], $0x80, s26, s15, $0xb8;
	[tilespmem:$0x17C00] =	vst v63  }
0xca: {  	s1 =	sadd.s32 $0x3200, s24;
	s3 =	simm.s32 $0x8400  }
0xcb: {  	[tilespmem:s3], [sflag:$0x1] =	stream.indirect.gather [hbm4b:s11+s15], $0x40, s1, s15, $0xb8;
	[tilespmem:$0x17C00] =	vst v63  }
0xcc: {  	s4 =	sadd.s32 $0x4B00, s24;
	s26 =	simm.s32 $0x9400  }
0xcd: {  	[tilespmem:s26], [sflag:$0x1] =	stream.indirect.gather [hbm4b:s25+s15], $0x20, s4, s15, $0xb8;
	[tilespmem:$0x17C00] =	vst v63  }
0xce: {  	s7 =	sadd.s32 $0x1940, s24;
	s31 =	simm.s32 $0x9C00  }
0xcf: {  	[tilespmem:s31], [sflag:$0x3] =	stream.indirect.gather [hbm4b:s28+s15], $0x80, s7, s15, $0xb8;
	[tilespmem:$0x17C00] =	vst v63  }
0xd0: {  	s8 =	sadd.s32 $0x3240, s24;
	s14 =	simm.s32 $0xBC00  }
0xd1: {  	[tilespmem:s14], [sflag:$0x3] =	stream.indirect.gather [hbm4b:s11+s15], $0x40, s8, s15, $0xb8;
	[tilespmem:$0x17C00] =	vst v63  }
0xd2: {  	s0 =	sadd.s32 $0x500, s22;
	s29 =	sadd.s32 $0x4B40, s24;
	s7 =	simm.s32 $0xCC00  }
0xd3: {  	[tilespmem:s7], [sflag:$0x3] =	stream.indirect.gather [hbm4b:s25+s15], $0x20, s29, s15, $0xb8;
	[tilespmem:$0x17C00] =	vst v63  }
0xd4: {  	[dreg:$0xd] =	wrdreg s0;
	s0 =	sadd.s32 $0x1980, s24;
	s4 =	simm.s32 $0xD400  }
0xd5: {  	[tilespmem:s4], [sflag:$0x5] =	stream.indirect.gather [hbm4b:s28+s15], $0x80, s0, s15, $0xb8;
	[tilespmem:$0x17C00] =	vst v63  }
0xd6: {  	s1 =	sadd.s32 $0x3280, s24;
	s29 =	simm.s32 $0xF400  }
0xd7: {  	[tilespmem:s29], [sflag:$0x5] =	stream.indirect.gather [hbm4b:s11+s15], $0x40, s1, s15, $0xb8;
	[tilespmem:$0x17C00] =	vst v63  }
0xd8: {  	s30 =	simm.s32 $0x10400;
	s8 =	sadd.s32 $0x4B80, s24  }
0xd9: {  	[tilespmem:s30], [sflag:$0x5] =	stream.indirect.gather [hbm4b:s25+s15], $0x20, s8, s15, $0xb8;
	[tilespmem:$0x17C00] =	vst v63  }
0xda: {  	s23 =	smov.u32 s22;
	s0 =	sadd.s32 $0x19C0, s24;
	s25 =	simm.s32 $0x10C00  }
0xdb: {  	[tilespmem:s25], [sflag:$0x7] =	stream.indirect.gather [hbm4b:s28+s15], $0x80, s0, s15, $0xb8;
	[tilespmem:$0x17C00] =	vst v63  }
0xdc: {  	p0 =	sne.s32 s22, $0x5F00;
	s1 =	sadd.s32 $0x32C0, s24;
	s8 =	simm.s32 $0x12C00  }
0xdd: {  	[tilespmem:s8], [sflag:$0x7] =	stream.indirect.gather [hbm4b:s11+s15], $0x40, s1, s15, $0xb8;
	[tilespmem:$0x17C00] =	vst v63  }
0xde: {  	s22 =	sadd.s32 $0x4BC0, s24;
	s0 =	simm.s32 $0x13C00;
	s1 =	rddreg [dreg:$0xc]  }
0xdf: {  	[tilespmem:s0], [sflag:$0x7] =	stream.indirect.gather [hbm4b:s1+s15], $0x20, s22, s15, $0xb8;
	[tilespmem:$0x17C00] =	vst v63  }
0xe0: {  	s0 =	sadd.s32 $0x1A00, s24;
	s1 =	simm.s32 $0x14400  }
0xe1: {  	[tilespmem:s1], [sflag:$0x9] =	stream.indirect.gather [hbm4b:s28+s15], $0x80, s0, s15, $0xb8;
	[tilespmem:$0x17C00] =	vst v63  }
0xe2: {  	s0 =	sadd.s32 $0x3300, s24;
	s28 =	simm.s32 $0x16400  }
0xe3: {  	[tilespmem:s28], [sflag:$0x9] =	stream.indirect.gather [hbm4b:s11+s15], $0x40, s0, s15, $0xb8;
	[tilespmem:$0x17C00] =	vst v63  }
0xe4: {  	s22 =	sadd.s32 $0x4C00, s24;
	s24 =	rddreg [dreg:$0xc];
	s0 =	simm.s32 $0x17400  }
0xe5: {  	[tilespmem:s0], [sflag:$0x9] =	stream.indirect.gather [hbm4b:s24+s15], $0x20, s22, s15, $0xb8;
	[tilespmem:$0x17C00] =	vst v63  }
0xe6: {  	s24 =	simm.s32 $0x1  }
0xe7: {  	_ =	swait.ge [sflag:s24], $0x2000  }
0xe8: {  	[sflag:s24] =	ssyncset.done $0x0  }
0xe9: {  	[sflag:s24] =	ssyncadd.s32 $0xFFFFE000  }
0xea: {  	_ =	swait.ge [sflag:s24], $0x1000  }
0xeb: {  	[sflag:s24] =	ssyncset.done $0x0  }
0xec: {  	[sflag:s24] =	ssyncadd.s32 $0xFFFFF000  }
0xed: {  	_ =	swait.ge [sflag:s24], $0x800  }
0xee: {  	[sflag:s24] =	ssyncset.done $0x0  }
0xef: {  	s22 =	rddreg [dreg:$0xb];
	[sflag:s24] =	ssyncadd.s32 $0xFFFFF800  }
0xf0: {  	[hbm4b:s21+s13] =	stream.linear.scatter [tilespmem:s2], [sflag:$0x2], $0x2000, $0x38;
	[tilespmem:$0x17C00] =	vst v63  }
0xf1: {  	s24 =	rddreg [dreg:$0x3];
	s22 =	sadd.s32 s16, s22  }
0xf2: {  	[hbm4b:s22+s13] =	stream.linear.scatter [tilespmem:s3], [sflag:$0x2], $0x1000, $0x38;
	[tilespmem:$0x17C00] =	vst v63  }
0xf3: {  	s24 =	sadd.s32 s17, s24;
	s22 =	simm.s32 $0x3  }
0xf4: {  	[hbm4b:s24+s13] =	stream.linear.scatter [tilespmem:s26], [sflag:$0x2], $0x800, $0x38;
	[tilespmem:$0x17C00] =	vst v63  }
0xf5: {  	_ =	swait.ge [sflag:s22], $0x2000  }
0xf6: {  	[sflag:s22] =	ssyncset.done $0x0  }
0xf7: {  	[sflag:s22] =	ssyncadd.s32 $0xFFFFE000  }
0xf8: {  	_ =	swait.ge [sflag:s22], $0x1000  }
0xf9: {  	[sflag:s22] =	ssyncset.done $0x0  }
0xfa: {  	[sflag:s22] =	ssyncadd.s32 $0xFFFFF000  }
0xfb: {  	_ =	swait.ge [sflag:s22], $0x800  }
0xfc: {  	[sflag:s22] =	ssyncset.done $0x0  }
0xfd: {  	s26 =	rddreg [dreg:$0xa];
	[sflag:s22] =	ssyncadd.s32 $0xFFFFF800  }
0xfe: {  	[hbm4b:s20+s13] =	stream.linear.scatter [tilespmem:s31], [sflag:$0x4], $0x2000, $0x38;
	[tilespmem:$0x17C00] =	vst v63  }
0xff: {  	s3 =	rddreg [dreg:$0x9];
	s22 =	sadd.s32 s16, s26  }
0x100: {  	[hbm4b:s22+s13] =	stream.linear.scatter [tilespmem:s14], [sflag:$0x4], $0x1000, $0x38;
	[tilespmem:$0x17C00] =	vst v63  }
0x101: {  	s14 =	sadd.s32 s17, s3;
	s22 =	simm.s32 $0x5  }
0x102: {  	[hbm4b:s14+s13] =	stream.linear.scatter [tilespmem:s7], [sflag:$0x4], $0x800, $0x38;
	[tilespmem:$0x17C00] =	vst v63  }
0x103: {  	_ =	swait.ge [sflag:s22], $0x2000  }
0x104: {  	[sflag:s22] =	ssyncset.done $0x0  }
0x105: {  	[sflag:s22] =	ssyncadd.s32 $0xFFFFE000  }
0x106: {  	_ =	swait.ge [sflag:s22], $0x1000  }
0x107: {  	[sflag:s22] =	ssyncset.done $0x0  }
0x108: {  	[sflag:s22] =	ssyncadd.s32 $0xFFFFF000  }
0x109: {  	_ =	swait.ge [sflag:s22], $0x800  }
0x10a: {  	[sflag:s22] =	ssyncset.done $0x0  }
0x10b: {  	s26 =	rddreg [dreg:$0x8];
	[sflag:s22] =	ssyncadd.s32 $0xFFFFF800  }
0x10c: {  	[hbm4b:s19+s13] =	stream.linear.scatter [tilespmem:s4], [sflag:$0x6], $0x2000, $0x38;
	[tilespmem:$0x17C00] =	vst v63  }
0x10d: {  	s31 =	rddreg [dreg:$0x7];
	s22 =	sadd.s32 s16, s26  }
0x10e: {  	[hbm4b:s22+s13] =	stream.linear.scatter [tilespmem:s29], [sflag:$0x6], $0x1000, $0x38;
	[tilespmem:$0x17C00] =	vst v63  }
0x10f: {  	s3 =	simm.s32 $0x7;
	s2 =	sadd.s32 s17, s31  }
0x110: {  	[hbm4b:s2+s13] =	stream.linear.scatter [tilespmem:s30], [sflag:$0x6], $0x800, $0x38;
	[tilespmem:$0x17C00] =	vst v63  }
0x111: {  	_ =	swait.ge [sflag:s3], $0x2000  }
0x112: {  	[sflag:s3] =	ssyncset.done $0x0  }
0x113: {  	[sflag:s3] =	ssyncadd.s32 $0xFFFFE000  }
0x114: {  	_ =	swait.ge [sflag:s3], $0x1000  }
0x115: {  	[sflag:s3] =	ssyncset.done $0x0  }
0x116: {  	[sflag:s3] =	ssyncadd.s32 $0xFFFFF000  }
0x117: {  	_ =	swait.ge [sflag:s3], $0x800  }
0x118: {  	[sflag:s3] =	ssyncset.done $0x0  }
0x119: {  	s4 =	rddreg [dreg:$0x6];
	[sflag:s3] =	ssyncadd.s32 $0xFFFFF800  }
0x11a: {  	[hbm4b:s18+s13] =	stream.linear.scatter [tilespmem:s25], [sflag:$0x8], $0x2000, $0x38;
	[tilespmem:$0x17C00] =	vst v63  }
0x11b: {  	s7 =	rddreg [dreg:$0x5];
	s22 =	sadd.s32 s16, s4  }
0x11c: {  	[hbm4b:s22+s13] =	stream.linear.scatter [tilespmem:s8], [sflag:$0x8], $0x1000, $0x38;
	[tilespmem:$0x17C00] =	vst v63  }
0x11d: {  	s14 =	sadd.s32 s17, s7;
	s25 =	simm.s32 $0x13C00  }
0x11e: {  	[hbm4b:s14+s13] =	stream.linear.scatter [tilespmem:s25], [sflag:$0x8], $0x800, $0x38;
	[tilespmem:$0x17C00] =	vst v63  }
0x11f: {  	s25 =	rddreg [dreg:$0xc];
	_ =	swait.ge [sflag:s9], $0x2000  }
0x120: {  	[sflag:s9] =	ssyncset.done $0x0  }
0x121: {  	[sflag:s9] =	ssyncadd.s32 $0xFFFFE000  }
0x122: {  	_ =	swait.ge [sflag:s9], $0x1000  }
0x123: {  	[sflag:s9] =	ssyncset.done $0x0  }
0x124: {  	[sflag:s9] =	ssyncadd.s32 $0xFFFFF000  }
0x125: {  	_ =	swait.ge [sflag:s9], $0x800  }
0x126: {  	[sflag:s9] =	ssyncset.done $0x0  }
0x127: {  	s26 =	rddreg [dreg:$0x4];
	[sflag:s9] =	ssyncadd.s32 $0xFFFFF800  }
0x128: {  	[hbm4b:s6+s13] =	stream.linear.scatter [tilespmem:s1], [sflag:$0xA], $0x2000, $0x38;
	[tilespmem:$0x17C00] =	vst v63  }
0x129: {  	s22 =	sadd.s32 s16, s26  }
0x12a: {  	[hbm4b:s22+s13] =	stream.linear.scatter [tilespmem:s28], [sflag:$0xA], $0x1000, $0x38;
	[tilespmem:$0x17C00] =	vst v63  }
0x12b: {  	s0 =	simm.s32 $0x17400;
	s29 =	sadd.s32 $0x400, s24  }
0x12c: {  	[hbm4b:s29+s13] =	stream.linear.scatter [tilespmem:s0], [sflag:$0xA], $0x800, $0x38;
	[tilespmem:$0x17C00] =	vst v63  }
0x12d: {  	_ =	swait.ge [sflag:s10], $0x2000  }
0x12e: {  	[sflag:s10] =	ssyncset.done $0x0  }
0x12f: {  	[sflag:s10] =	ssyncadd.s32 $0xFFFFE000  }
0x130: {  	_ =	swait.ge [sflag:s10], $0x1000  }
0x131: {  	[sflag:s10] =	ssyncset.done $0x0  }
0x132: {  	[sflag:s10] =	ssyncadd.s32 $0xFFFFF000  }
0x133: {  	_ =	swait.ge [sflag:s10], $0x800  }
0x134: {  	[sflag:s10] =	ssyncset.done $0x0  }
0x135: {  	[sflag:s10] =	ssyncadd.s32 $0xFFFFF800  }
0x136: {  	_ =	swait.ge [sflag:s5], $0x2000  }
0x137: {  	[sflag:s5] =	ssyncset.done $0x0  }
0x138: {  	[sflag:s5] =	ssyncadd.s32 $0xFFFFE000  }
0x139: {  	_ =	swait.ge [sflag:s5], $0x1000  }
0x13a: {  	[sflag:s5] =	ssyncset.done $0x0  }
0x13b: {  	[sflag:s5] =	ssyncadd.s32 $0xFFFFF000  }
0x13c: {  	_ =	swait.ge [sflag:s5], $0x800  }
0x13d: {  	[sflag:s5] =	ssyncset.done $0x0  }
0x13e: {  	[sflag:s5] =	ssyncadd.s32 $0xFFFFF800  }
0x13f: {  	_ =	swait.ge [sflag:s12], $0x2000  }
0x140: {  	[sflag:s12] =	ssyncset.done $0x0  }
0x141: {  	[sflag:s12] =	ssyncadd.s32 $0xFFFFE000  }
0x142: {  	_ =	swait.ge [sflag:s12], $0x1000  }
0x143: {  	[sflag:s12] =	ssyncset.done $0x0  }
0x144: {  	[sflag:s12] =	ssyncadd.s32 $0xFFFFF000  }
0x145: {  	_ =	swait.ge [sflag:s12], $0x800  }
0x146: {  	[sflag:s12] =	ssyncset.done $0x0  }
0x147: {  	s31 =	simm.s32 $0x8;
	[sflag:s12] =	ssyncadd.s32 $0xFFFFF800  }
0x148: {  	_ =	swait.ge [sflag:s31], $0x2000  }
0x149: {  	[sflag:s31] =	ssyncset.done $0x0  }
0x14a: {  	[sflag:s31] =	ssyncadd.s32 $0xFFFFE000  }
0x14b: {  	_ =	swait.ge [sflag:s31], $0x1000  }
0x14c: {  	[sflag:s31] =	ssyncset.done $0x0  }
0x14d: {  	[sflag:s31] =	ssyncadd.s32 $0xFFFFF000  }
0x14e: {  	_ =	swait.ge [sflag:s31], $0x800  }
0x14f: {  	[sflag:s31] =	ssyncset.done $0x0  }
0x150: {  	s30 =	simm.s32 $0xA;
	[sflag:s31] =	ssyncadd.s32 $0xFFFFF800  }
0x151: {  	_ =	swait.ge [sflag:s30], $0x2000  }
0x152: {  	[sflag:s30] =	ssyncset.done $0x0  }
0x153: {  	[sflag:s30] =	ssyncadd.s32 $0xFFFFE000  }
.Ltmp1:
0x154: {  	s21 =	sadd.s32 $0x1400, s21;
	_ =	swait.ge [sflag:s30], $0x1000;
	(pc) =	sbr.rel @p0 .LBB2_4-.Ltmp1, $4  }
0x155: {  	s20 =	sadd.s32 $0x1400, s20;
	s19 =	sadd.s32 $0x1400, s19;
	[sflag:s30] =	ssyncset.done $0x0  }
0x156: {  	s17 =	smov.u32 s23;
	s18 =	sadd.s32 $0x1400, s18;
	[sflag:s30] =	ssyncadd.s32 $0xFFFFF000  }
0x157: {  	s24 =	sshra.s32 s17, $0x2;
	s16 =	sadd.s32 $0xA00, s16;
	_ =	swait.ge [sflag:s30], $0x800  }
0x158: {  	s6 =	sadd.s32 $0x1400, s6;
	[sflag:s30] =	ssyncset.done $0x0;
	s22 =	rddreg [dreg:$0xd]  }
0x159: {  	[sflag:s30] =	ssyncadd.s32 $0xFFFFF800  }
0x15a: {  	s22 =	sadd.s32 $0x1900, s24;
	s2 =	simm.s32 $0x6400;
	s23 =	rddreg [dreg:$0x1]  }
0x15b: {  	[tilespmem:s2], [sflag:$0x1] =	stream.indirect.gather [hbm4b:s23+s15], $0x80, s22, s15, $0xb8;
	[tilespmem:$0x17C00] =	vst v63  }
0x15c: {  	s1 =	sadd.s32 $0x3200, s24;
	s3 =	simm.s32 $0x8400  }
0x15d: {  	[tilespmem:s3], [sflag:$0x1] =	stream.indirect.gather [hbm4b:s11+s15], $0x40, s1, s15, $0xb8;
	[tilespmem:$0x17C00] =	vst v63  }
0x15e: {  	s4 =	sadd.s32 $0x4B00, s24;
	s0 =	simm.s32 $0x9400  }
0x15f: {  	[tilespmem:s0], [sflag:$0x1] =	stream.indirect.gather [hbm4b:s25+s15], $0x20, s4, s15, $0xb8;
	[tilespmem:$0x17C00] =	vst v63  }
0x160: {  	s7 =	sadd.s32 $0x1940, s24;
	s31 =	simm.s32 $0x9C00  }
0x161: {  	[tilespmem:s31], [sflag:$0x3] =	stream.indirect.gather [hbm4b:s23+s15], $0x80, s7, s15, $0xb8;
	[tilespmem:$0x17C00] =	vst v63  }
0x162: {  	s8 =	sadd.s32 $0x3240, s24;
	s14 =	simm.s32 $0xBC00  }
0x163: {  	[tilespmem:s14], [sflag:$0x3] =	stream.indirect.gather [hbm4b:s11+s15], $0x40, s8, s15, $0xb8;
	[tilespmem:$0x17C00] =	vst v63  }
0x164: {  	s26 =	sadd.s32 $0x4B40, s24;
	s7 =	simm.s32 $0xCC00  }
0x165: {  	[tilespmem:s7], [sflag:$0x3] =	stream.indirect.gather [hbm4b:s25+s15], $0x20, s26, s15, $0xb8;
	[tilespmem:$0x17C00] =	vst v63  }
0x166: {  	s1 =	sadd.s32 $0x1980, s24;
	s4 =	simm.s32 $0xD400  }
0x167: {  	[tilespmem:s4], [sflag:$0x5] =	stream.indirect.gather [hbm4b:s23+s15], $0x80, s1, s15, $0xb8;
	[tilespmem:$0x17C00] =	vst v63  }
0x168: {  	s8 =	sadd.s32 $0x3280, s24;
	s26 =	simm.s32 $0xF400  }
0x169: {  	[tilespmem:s26], [sflag:$0x5] =	stream.indirect.gather [hbm4b:s11+s15], $0x40, s8, s15, $0xb8;
	[tilespmem:$0x17C00] =	vst v63  }
0x16a: {  	s28 =	simm.s32 $0x10400;
	s1 =	sadd.s32 $0x4B80, s24  }
0x16b: {  	[tilespmem:s28], [sflag:$0x5] =	stream.indirect.gather [hbm4b:s25+s15], $0x20, s1, s15, $0xb8;
	[tilespmem:$0x17C00] =	vst v63  }
0x16c: {  	s8 =	sadd.s32 $0x19C0, s24;
	s1 =	simm.s32 $0x10C00  }
0x16d: {  	[tilespmem:s1], [sflag:$0x7] =	stream.indirect.gather [hbm4b:s23+s15], $0x80, s8, s15, $0xb8;
	[tilespmem:$0x17C00] =	vst v63  }
0x16e: {  	s22 =	sadd.s32 $0x32C0, s24;
	s8 =	simm.s32 $0x12C00  }
0x16f: {  	[tilespmem:s8], [sflag:$0x7] =	stream.indirect.gather [hbm4b:s11+s15], $0x40, s22, s15, $0xb8;
	[tilespmem:$0x17C00] =	vst v63  }
0x170: {  	s29 =	smov.u32 s25;
	s25 =	simm.s32 $0x13C00;
	s8 =	sadd.s32 $0x4BC0, s24  }
0x171: {  	[tilespmem:s25], [sflag:$0x7] =	stream.indirect.gather [hbm4b:s29+s15], $0x20, s8, s15, $0xb8;
	[tilespmem:$0x17C00] =	vst v63  }
0x172: {  	s22 =	sadd.s32 $0x1A00, s24;
	s8 =	simm.s32 $0x14400  }
0x173: {  	[tilespmem:s8], [sflag:$0x9] =	stream.indirect.gather [hbm4b:s23+s15], $0x80, s22, s15, $0xb8;
	[tilespmem:$0x17C00] =	vst v63  }
0x174: {  	s22 =	sadd.s32 $0x3300, s24;
	s23 =	simm.s32 $0x16400  }
0x175: {  	[tilespmem:s23], [sflag:$0x9] =	stream.indirect.gather [hbm4b:s11+s15], $0x40, s22, s15, $0xb8;
	[tilespmem:$0x17C00] =	vst v63  }
0x176: {  	s11 =	sadd.s32 $0x4C00, s24;
	s24 =	simm.s32 $0x17400  }
0x177: {  	[tilespmem:s24], [sflag:$0x9] =	stream.indirect.gather [hbm4b:s29+s15], $0x20, s11, s15, $0xb8;
	[tilespmem:$0x17C00] =	vst v63  }
0x178: {  	s11 =	simm.s32 $0x1  }
0x179: {  	_ =	swait.ge [sflag:s11], $0x2000  }
0x17a: {  	[sflag:s11] =	ssyncset.done $0x0  }
0x17b: {  	[sflag:s11] =	ssyncadd.s32 $0xFFFFE000  }
0x17c: {  	_ =	swait.ge [sflag:s11], $0x1000  }
0x17d: {  	[sflag:s11] =	ssyncset.done $0x0  }
0x17e: {  	[sflag:s11] =	ssyncadd.s32 $0xFFFFF000  }
0x17f: {  	_ =	swait.ge [sflag:s11], $0x800  }
0x180: {  	[sflag:s11] =	ssyncset.done $0x0  }
0x181: {  	s22 =	rddreg [dreg:$0xb];
	[sflag:s11] =	ssyncadd.s32 $0xFFFFF800  }
0x182: {  	[hbm4b:s21+s13] =	stream.linear.scatter [tilespmem:s2], [sflag:$0x2], $0x2000, $0x38;
	[tilespmem:$0x17C00] =	vst v63  }
0x183: {  	s11 =	rddreg [dreg:$0x3];
	s22 =	sadd.s32 s16, s22  }
0x184: {  	[hbm4b:s22+s13] =	stream.linear.scatter [tilespmem:s3], [sflag:$0x2], $0x1000, $0x38;
	[tilespmem:$0x17C00] =	vst v63  }
0x185: {  	s21 =	sadd.s32 s17, s11  }
0x186: {  	[hbm4b:s21+s13] =	stream.linear.scatter [tilespmem:s0], [sflag:$0x2], $0x800, $0x38;
	[tilespmem:$0x17C00] =	vst v63  }
0x187: {  	s0 =	simm.s32 $0x3  }
0x188: {  	_ =	swait.ge [sflag:s0], $0x2000  }
0x189: {  	[sflag:s0] =	ssyncset.done $0x0  }
0x18a: {  	[sflag:s0] =	ssyncadd.s32 $0xFFFFE000  }
0x18b: {  	_ =	swait.ge [sflag:s0], $0x1000  }
0x18c: {  	[sflag:s0] =	ssyncset.done $0x0  }
0x18d: {  	[sflag:s0] =	ssyncadd.s32 $0xFFFFF000  }
0x18e: {  	_ =	swait.ge [sflag:s0], $0x800  }
0x18f: {  	[sflag:s0] =	ssyncset.done $0x0  }
0x190: {  	s3 =	rddreg [dreg:$0xa];
	[sflag:s0] =	ssyncadd.s32 $0xFFFFF800  }
0x191: {  	[hbm4b:s20+s13] =	stream.linear.scatter [tilespmem:s31], [sflag:$0x4], $0x2000, $0x38;
	[tilespmem:$0x17C00] =	vst v63  }
0x192: {  	s11 =	rddreg [dreg:$0x9];
	s22 =	sadd.s32 s16, s3  }
0x193: {  	[hbm4b:s22+s13] =	stream.linear.scatter [tilespmem:s14], [sflag:$0x4], $0x1000, $0x38;
	[tilespmem:$0x17C00] =	vst v63  }
0x194: {  	s20 =	sadd.s32 s17, s11;
	s31 =	simm.s32 $0x5  }
0x195: {  	[hbm4b:s20+s13] =	stream.linear.scatter [tilespmem:s7], [sflag:$0x4], $0x800, $0x38;
	[tilespmem:$0x17C00] =	vst v63  }
0x196: {  	_ =	swait.ge [sflag:s31], $0x2000  }
0x197: {  	[sflag:s31] =	ssyncset.done $0x0  }
0x198: {  	[sflag:s31] =	ssyncadd.s32 $0xFFFFE000  }
0x199: {  	_ =	swait.ge [sflag:s31], $0x1000  }
0x19a: {  	[sflag:s31] =	ssyncset.done $0x0  }
0x19b: {  	[sflag:s31] =	ssyncadd.s32 $0xFFFFF000  }
0x19c: {  	_ =	swait.ge [sflag:s31], $0x800  }
0x19d: {  	[sflag:s31] =	ssyncset.done $0x0  }
0x19e: {  	s0 =	rddreg [dreg:$0x8];
	[sflag:s31] =	ssyncadd.s32 $0xFFFFF800  }
0x19f: {  	[hbm4b:s19+s13] =	stream.linear.scatter [tilespmem:s4], [sflag:$0x6], $0x2000, $0x38;
	[tilespmem:$0x17C00] =	vst v63  }
0x1a0: {  	s3 =	rddreg [dreg:$0x7];
	s20 =	sadd.s32 s16, s0  }
0x1a1: {  	[hbm4b:s20+s13] =	stream.linear.scatter [tilespmem:s26], [sflag:$0x6], $0x1000, $0x38;
	[tilespmem:$0x17C00] =	vst v63  }
0x1a2: {  	s19 =	sadd.s32 s17, s3;
	s4 =	simm.s32 $0x7  }
0x1a3: {  	[hbm4b:s19+s13] =	stream.linear.scatter [tilespmem:s28], [sflag:$0x6], $0x800, $0x38;
	[tilespmem:$0x17C00] =	vst v63  }
0x1a4: {  	_ =	swait.ge [sflag:s4], $0x2000  }
0x1a5: {  	[sflag:s4] =	ssyncset.done $0x0  }
0x1a6: {  	[sflag:s4] =	ssyncadd.s32 $0xFFFFE000  }
0x1a7: {  	_ =	swait.ge [sflag:s4], $0x1000  }
0x1a8: {  	[sflag:s4] =	ssyncset.done $0x0  }
0x1a9: {  	[sflag:s4] =	ssyncadd.s32 $0xFFFFF000  }
0x1aa: {  	_ =	swait.ge [sflag:s4], $0x800  }
0x1ab: {  	[sflag:s4] =	ssyncset.done $0x0  }
0x1ac: {  	s7 =	rddreg [dreg:$0x6];
	[sflag:s4] =	ssyncadd.s32 $0xFFFFF800  }
0x1ad: {  	[hbm4b:s18+s13] =	stream.linear.scatter [tilespmem:s1], [sflag:$0x8], $0x2000, $0x38;
	[tilespmem:$0x17C00] =	vst v63  }
0x1ae: {  	s14 =	simm.s32 $0x12C00;
	s11 =	rddreg [dreg:$0x5];
	s19 =	sadd.s32 s16, s7  }
0x1af: {  	[hbm4b:s19+s13] =	stream.linear.scatter [tilespmem:s14], [sflag:$0x8], $0x1000, $0x38;
	[tilespmem:$0x17C00] =	vst v63  }
0x1b0: {  	s19 =	sadd.s32 s17, s11  }
0x1b1: {  	[hbm4b:s19+s13] =	stream.linear.scatter [tilespmem:s25], [sflag:$0x8], $0x800, $0x38;
	[tilespmem:$0x17C00] =	vst v63  }
0x1b2: {  	_ =	swait.ge [sflag:s9], $0x2000  }
0x1b3: {  	[sflag:s9] =	ssyncset.done $0x0  }
0x1b4: {  	[sflag:s9] =	ssyncadd.s32 $0xFFFFE000  }
0x1b5: {  	_ =	swait.ge [sflag:s9], $0x1000  }
0x1b6: {  	[sflag:s9] =	ssyncset.done $0x0  }
0x1b7: {  	[sflag:s9] =	ssyncadd.s32 $0xFFFFF000  }
0x1b8: {  	_ =	swait.ge [sflag:s9], $0x800  }
0x1b9: {  	[sflag:s9] =	ssyncset.done $0x0  }
0x1ba: {  	s8 =	simm.s32 $0x14400;
	s20 =	rddreg [dreg:$0x4];
	[sflag:s9] =	ssyncadd.s32 $0xFFFFF800  }
0x1bb: {  	[hbm4b:s6+s13] =	stream.linear.scatter [tilespmem:s8], [sflag:$0xA], $0x2000, $0x38;
	[tilespmem:$0x17C00] =	vst v63  }
0x1bc: {  	s22 =	sadd.s32 s16, s20  }
0x1bd: {  	[hbm4b:s22+s13] =	stream.linear.scatter [tilespmem:s23], [sflag:$0xA], $0x1000, $0x38;
	[tilespmem:$0x17C00] =	vst v63  }
0x1be: {  	s23 =	sadd.s32 $0x400, s21  }
0x1bf: {  	[hbm4b:s23+s13] =	stream.linear.scatter [tilespmem:s24], [sflag:$0xA], $0x800, $0x38;
	[tilespmem:$0x17C00] =	vst v63  }
0x1c0: {  	_ =	swait.ge [sflag:s10], $0x2000  }
0x1c1: {  	[sflag:s10] =	ssyncset.done $0x0  }
0x1c2: {  	[sflag:s10] =	ssyncadd.s32 $0xFFFFE000  }
0x1c3: {  	_ =	swait.ge [sflag:s10], $0x1000  }
0x1c4: {  	[sflag:s10] =	ssyncset.done $0x0  }
0x1c5: {  	[sflag:s10] =	ssyncadd.s32 $0xFFFFF000  }
0x1c6: {  	_ =	swait.ge [sflag:s10], $0x800  }
0x1c7: {  	[sflag:s10] =	ssyncset.done $0x0  }
0x1c8: {  	[sflag:s10] =	ssyncadd.s32 $0xFFFFF800  }
0x1c9: {  	_ =	swait.ge [sflag:s5], $0x2000  }
0x1ca: {  	[sflag:s5] =	ssyncset.done $0x0  }
0x1cb: {  	[sflag:s5] =	ssyncadd.s32 $0xFFFFE000  }
0x1cc: {  	_ =	swait.ge [sflag:s5], $0x1000  }
0x1cd: {  	[sflag:s5] =	ssyncset.done $0x0  }
0x1ce: {  	[sflag:s5] =	ssyncadd.s32 $0xFFFFF000  }
0x1cf: {  	_ =	swait.ge [sflag:s5], $0x800  }
0x1d0: {  	[sflag:s5] =	ssyncset.done $0x0  }
0x1d1: {  	[sflag:s5] =	ssyncadd.s32 $0xFFFFF800  }
0x1d2: {  	_ =	swait.ge [sflag:s12], $0x2000  }
0x1d3: {  	[sflag:s12] =	ssyncset.done $0x0  }
0x1d4: {  	[sflag:s12] =	ssyncadd.s32 $0xFFFFE000  }
0x1d5: {  	_ =	swait.ge [sflag:s12], $0x1000  }
0x1d6: {  	[sflag:s12] =	ssyncset.done $0x0  }
0x1d7: {  	[sflag:s12] =	ssyncadd.s32 $0xFFFFF000  }
0x1d8: {  	_ =	swait.ge [sflag:s12], $0x800  }
0x1d9: {  	[sflag:s12] =	ssyncset.done $0x0  }
0x1da: {  	s25 =	simm.s32 $0x8;
	[sflag:s12] =	ssyncadd.s32 $0xFFFFF800  }
0x1db: {  	_ =	swait.ge [sflag:s25], $0x2000  }
0x1dc: {  	[sflag:s25] =	ssyncset.done $0x0  }
0x1dd: {  	[sflag:s25] =	ssyncadd.s32 $0xFFFFE000  }
0x1de: {  	_ =	swait.ge [sflag:s25], $0x1000  }
0x1df: {  	[sflag:s25] =	ssyncset.done $0x0  }
0x1e0: {  	[sflag:s25] =	ssyncadd.s32 $0xFFFFF000  }
0x1e1: {  	_ =	swait.ge [sflag:s25], $0x800  }
0x1e2: {  	[sflag:s25] =	ssyncset.done $0x0  }
0x1e3: {  	[sflag:s25] =	ssyncadd.s32 $0xFFFFF800  }
0x1e4: {  	_ =	swait.ge [sflag:s30], $0x2000  }
0x1e5: {  	[sflag:s30] =	ssyncset.done $0x0  }
0x1e6: {  	[sflag:s30] =	ssyncadd.s32 $0xFFFFE000  }
0x1e7: {  	_ =	swait.ge [sflag:s30], $0x1000  }
0x1e8: {  	[sflag:s30] =	ssyncset.done $0x0  }
0x1e9: {  	[sflag:s30] =	ssyncadd.s32 $0xFFFFF000  }
0x1ea: {  	s29 =	simm.s32 $0x12C00;
	_ =	swait.ge [sflag:s30], $0x800  }
0x1eb: {  	s0 =	simm.s32 $0x14400;
	s28 =	simm.s32 $0x10C00;
	s26 =	rddreg [dreg:$0x16]  }
0x1ec: {  	s18 =	simm.s32 $0x6400;
	s31 =	rddreg [dreg:$0x10];
	s16 =	sadd.s32 $0x1, s26  }
0x1ed: {  	s1 =	simm.s32 $0xCC00;
	s19 =	simm.s32 $0x8400;
	p0 =	sne.s32 s16, s31  }
.Ltmp2:
0x1ee: {  	s20 =	simm.s32 $0x9400;
	s9 =	simm.s32 $0x2;
	(pc) =	sbr.rel @p0 .LBB2_1-.Ltmp2, $4  }
0x1ef: {  	s8 =	simm.s32 $0x9;
	s22 =	simm.s32 $0x9C00;
	s21 =	simm.s32 $0xF400  }
0x1f0: {  	s24 =	simm.s32 $0xBC00;
	s23 =	simm.s32 $0x10400;
	s10 =	simm.s32 $0x6  }
0x1f1: {  	s5 =	simm.s32 $0x4;
	s12 =	simm.s32 $0x8;
	[sflag:s30] =	ssyncset.done $0x0  }
0x1f2: {  	[sflag:s30] =	ssyncadd.s32 $0xFFFFF800;
	s26 =	simm.s32 $0xD400;
	s30 =	simm.s32 $0x13C00  }
0x1f3: {  	_ =	sfence.sel $0x180000  }
0x1f4: {  	[bflag:$0x0] =	sbarrier.arrive $0xFFFF  }
0x1f5: {  	_ =	strace $0x90000047  }
0x1f6: {  	s0 =	stileid.u32;
	[bflag:$0x2] =	sbarrier.arrive $0xFFFF  }
0x1f7: {  	p0 =	sne.s32 s0, $0x0;
	s0 =	rddreg [dreg:$0x2]  }
0x1f8: {  	s0 =	sadd.s32 @!p0 $0x100000, s0  }
0x1f9: {  	[sflag:s0] =	ssyncadd.tile.s32 @!p0 $0x1;
	_ =	shalt  }
.Lfunc_end2:
_tile_overlayer_lowered:
.L_overlay_start_2:
0x1fa: {  	(tag) =	ssettag $0x2  }
0x1fb: {  	s0 =	rddreg [dreg:$0x0];
	s2 =	stileid.u32  }
0x1fc: {  	s1 =	rddreg [dreg:$0x1];
	p0 =	sne.s32 s2, $0x0  }
0x1fd: {  	s3 =	rddreg [dreg:$0x2];
	[bflag:$0x3] =	sbarrier.arrive $0xFFFF;
	s2 =	simm.s32 @!p0 $0x1C0B  }
0x1fe: {  	[timem:s3], [sflag:s2] =	dma.local @!p0 [hbm:s0], s1  }
0x1ff: {  	s0 =	simm.s32 @!p0 $0xB  }
0x200: {  	_ =	swait.ge @!p0 [sflag:s0], s1  }
0x201: {  	s1 =	ssub.s32 @!p0 $0x0, s1;
	[sflag:s0] =	ssyncset.done @!p0 $0x0  }
0x202: {  	[sflag:s0] =	ssyncadd.s32 @!p0 s1  }
0x203: {  	[bflag:$0x3] =	sbarrier.arrive $0xFFFF  }
0x204: {  	_ =	shalt  }

// kernel: sparse-core-data-format-call.cloned.1.call-start
scs
called_computation_lowered:
.L_overlay_start_0:
0x0: {  	s2 =	sld [smem:$0x3FD9]  }
0x1: {  	s3 =	sld [smem:$0x3FFE];
	_ =	sdelay $0x1  }
0x2: {  	s1 =	srdreg.scid  }
0x3: {  	s0 =	sand.u32 $0x1, s1  }
0x4: {  	s18 =	sshll.u32 s0, $0xA;
	s2 =	sadd.s32 s3, s2  }
0x5: {  	s2 =	sadd.s32 s2, s18  }
0x6: {  	[smem:$0x3FC2] =	sst s2  }
0x7: {  	_ = 	snop  }
0x8: {  	s2 =	sld [smem:$0x3FD0];
	(tm) =	ssettm $0x1  }
0x9: {  	s19 =	sld [smem:$0x3FFB];
	_ =	sdelay $0x3  }
0xa: {  	_ =	strace s19  }
0xb: {  	s3 =	sld [smem:$0x3FFC];
	_ =	sdelay $0x3  }
0xc: {  	_ =	strace s3  }
0xd: {  	s3 =	sld [smem:$0x3FFD];
	_ =	sdelay $0x3  }
0xe: {  	_ =	strace s3  }
0xf: {  	_ =	strace $0x8FFFFFFF  }
0x10: {  	s20 =	sld [smem:$0x3FDB];
	_ =	sdelay $0x1  }
0x11: {  	s4 =	simm.s32 $_scs_section_size  }
0x12: {  	s5 =	simm.s32 $_size__tile_overlayer_lowered;
	s6 =	simm.s32 $_tile_overlayer_lowered  }
0x13: {  	s23 =	simm.s32 $0x1BFF;
	s22 =	sshll.u32 s6, $0x1;
	s3 =	sadd.s32 s4, s20  }
0x14: {  	s7 =	simm.s32 $0x0;
	s21 =	sshll.u32 s5, $0x1;
	s5 =	sadd.s32 s22, s3  }
0x15: {  	[timem:s7], [sflag:s23] =	dma.local [hbm:s5], s21  }
0x16: {  	_ =	swait.ge [sflag:s23], s21  }
0x17: {  	s4 =	ssub.s32 $0x0, s21;
	[sflag:s23] =	ssyncset.done $0x0  }
0x18: {  	[sflag:s23] =	ssyncadd.s32 s4;
	_ =	sdelay $0x1  }
0x19: {  	s24 =	simm.s32 $0x1B8B  }
0x1a: {  	_ =	swait.ge [sflag:s24], $0x1  }
0x1b: {  	[sflag:s24] =	ssyncset.done $0x0  }
0x1c: {  	s26 =	simm.s32 $0x1B8E;
	s25 =	sld [smem:$0x3FFE];
	[sflag:s24] =	ssyncadd.s32 $0xFFFFFFFF  }
0x1d: {  	s27 =	simm.s32 $execute0_lowered;
	[smem:$0x3FD2] =	sst s26  }
0x1e: {  	s5 =	sshll.u32 s27, $0x1;
	_ =	strace $0x80000049;
	[dreg:$0x1] =	wrdreg $0xFFFFFFFF  }
0x1f: {  	s28 =	simm.s32 $_size_execute0_lowered;
	s3 =	sadd.s32 s3, s5;
	[dreg:$0x0] =	wrdreg $0x0  }
0x20: {  	s5 =	sshll.u32 s28, $0x1;
	[dreg:$0x2] =	wrdreg s3  }
0x21: {  	[dreg:$0x3] =	wrdreg s5  }
0x22: {  	[dreg:$0x4] =	wrdreg $0xC0  }
0x23: {  	_ =	task [dreg:s7], $0x5FFFF  }
0x24: {  	[dreg:$0x1] =	wrdreg $0xFFFFFFFF  }
0x25: {  	[dreg:$0x0] =	wrdreg $0x60  }
0x26: {  	[dreg:$0x2] =	wrdreg s25  }
0x27: {  	[dreg:$0x3] =	wrdreg s2  }
0x28: {  	[dreg:$0x4] =	wrdreg $0x9  }
0x29: {  	_ =	task.clear_ibuf [dreg:s7], $0x5FFFF;
	_ =	strace $0x90000049  }
0x2a: {  	s29 =	simm.s32 $0x9;
	_ =	strace $0x8000004B  }
0x2b: {  	_ =	swait.ge [sflag:s29], $0x1  }
0x2c: {  	[sflag:s29] =	ssyncadd.s32 $0xFFFFFFFF  }
0x2d: {  	_ =	strace $0x9000004B  }
0x2e: {  	_ =	sfence  }
0x2f: {  	s30 =	sld [smem:$0x0];
	_ =	sdelay $0x2  }
0x30: {  	s31 =	sshll.u32 s1, $0xD;
	s1 =	sshrl.u32 s1, $0x2  }
0x31: {  	s3 =	sand.u32 $0x4000, s31;
	s1 =	sadd.s32 s1, s30  }
0x32: {  	s0 =	sor.u32 s3, s0;
	s1 =	sshll.u32 s1, $0x11  }
0x33: {  	s0 =	sor.u32 s1, s0  }
0x34: {  	s0 =	sadd.s32 $0x8F2B, s0  }
0x35: {  	[sflag:s0] =	ssyncadd.remote.s32 $0x1  }
0x36: {  	_ =	sfence.sel $0xFFFF  }
0x37: {  	[dreg:$0x0] =	wrdreg $0xFFFFFFFF;
	(pc) =	sbr.abs _section_cstart, $3  }
0x38: {  	[dreg:$0x1] =	wrdreg $0xFFFFFFFF  }
0x39: {  	_ =	task.clear_ibuf [dreg:s7], $0x2FFFF;
	_ =	strace $0x9FFFFFFF  }
0x3a: {  	(tm) =	ssettm $0x7FFFFFFF  }
0x3b: {  	_ =	shalt  }
tec
execute0_lowered:
.L_overlay_start_1:
0x0: {  	(tag) =	ssettag $0x1  }
0x1: {  	s0 =	srdreg.scid  }
0x2: {  	s1 =	sshll.u32 s0, $0x4  }
0x3: {  	s0 =	stileid.u32;
	s1 =	sand.u32 $0x10, s1  }
0x4: {  	s1 =	sor.u32 s0, s1  }
0x5: {  	s6 =	rddreg [dreg:$0x0];
	s4 =	simm.s32 $0x1;
	s2 =	sshll.u32 s1, $0x6  }
0x6: {  	s7 =	simm.s32 $0x2;
	s13 =	simm.s32 $0x0;
	s1 =	ssub.s32 $0x1000, s2  }
0x7: {  	s8 =	simm.s32 $0x2000;
	s9 =	simm.s32 $0x80000;
	s3 =	sand.u32 $0x7C0, s1  }
0x8: {  	s14 =	simm.s32 $0x0;
	s5 =	sshrl.u32 s1, $0xB;
	p0 =	sne.s32 s3, $0x0  }
.Ltmp0:
0x9: {  	s1 =	rddreg [dreg:$0x2];
	s4 =	simm.s32 @!p0 $0x0;
	(pc) =	sbr.rel .LBB1_1-.Ltmp0, $4  }
0xa: {  	s10 =	simm.s32 $0x0;
	s3 =	rddreg [dreg:$0x1];
	s5 =	sadd.s32 s4, s5  }
0xb: {  	_ =	strace $0x8000004A;
	s4 =	simm.s32 $0x1;
	s5 =	smul.u32 $0x19, s5  }
0xc: {  	s12 =	simm.s32 $0x0;
	s6 =	sadd.s32 $0x1600, s6;
	[sflag:s4] =	ssyncpa.u1 $0x0  }
0xd: {  	s11 =	smov.u32 s2;
	[sflag:s7] =	ssyncpa.u1 $0x0;
	s7 =	sadd.s32 $0x1, s5  }
.LBB1_7:
0xe: {  	s15 =	sadd.s32 $0x2, s10  }
0xf: {  	s13 =	sadd.s32 $0x800, s11;
	s17 =	smov.u32 s11;
	p1 =	sgt.s32 s15, $0x31  }
0x10: {  	s17 =	smov.u32 @p1 s13  }
0x11: {  	s15 =	simm.s32 @p1 $0x0;
	p1 =	sgt.s32 s17, $0xFFF  }
0x12: {  	s17 =	smov.u32 @p1 s2;
	p1 =	sne.s32 s12, s7  }
.Ltmp1:
0x13: {  	p0 =	slt.u32 s12, $0x2;
	(pc) =	sbr.rel @!p1 .LBB1_8-.Ltmp1, $4  }
0x14: {  	s16 =	simm.s32 @!p0 $0x2  }
0x15: {  	s14 =	smov.u32 s11;
	_ =	swait.ge @!p0 [sflag:s16], $0x4000  }
0x16: {  	s13 =	smov.u32 s10;
	[sflag:s16] =	ssyncset.done @!p0 $0x0;
	s10 =	smov.u32 s15  }
0x17: {  	s12 =	sadd.s32 $0x1, s12;
	[sflag:s16] =	ssyncadd.s32 @!p0 $0xFFFFC000;
	s11 =	smov.u32 s17  }
.LBB1_1:
0x18: {  	p0 =	sge.u32 s12, s5  }
0x19: {  	s15 =	sand.u32 @!p0 $0x1FFFFFF, s10  }
0x1a: {  	s16 =	smulhi.u32 @!p0 $0x4924925, s15;
	_ =	sdelay $0x1  }
0x1b: {  	s16 =	smul.u32 @!p0 $0x38, s16  }
0x1c: {  	s17 =	sxor.u32 @!p0 $0xFFFFFFFF, s12;
	s18 =	smul.u32 @!p0 $0x380, s11  }
0x1d: {  	s31 =	sadd.s32 $0xFFFFFFFF, s12;
	s17 =	sshll.u32 @!p0 s17, $0xE;
	s15 =	ssub.s32 @!p0 s15, s16  }
0x1e: {  	s16 =	sand.u32 @!p0 $0x4000, s17;
	s17 =	sadd.s32 @!p0 s6, s18;
	s15 =	sshll.u32 @!p0 s15, $0x4  }
0x1f: {  	s18 =	simm.s32 @!p0 $0x1C00;
	s15 =	sadd.s32 @!p0 s15, s17;
	s17 =	simm.s32 @!p0 $0x100  }
0x20: {  	[tilespmem:s16], [sflag:$0x1] =	stream.strided.gather @!p0 [hbm4b:s15+s17], $0x4000, s18, s17, $0x38;
	[tilespmem:$0x10000] =	vst v63  }
0x21: {  	p0 =	sge.u32 s31, s5  }
.Ltmp2:
0x22: {  	_ = 	snop;
	(pc) =	sbr.rel @p0 .LBB1_7-.Ltmp2, $1  }
0x23: {  	_ =	sdelay $0x3  }
0x24: {  	_ =	swait.ge [sflag:s4], $0x4000;
	s15 =	sshll.u32 s12, $0xE  }
0x25: {  	[sflag:s4] =	ssyncset.done $0x0;
	s16 =	sand.u32 $0x4000, s15  }
0x26: {  	s17 =	simm.s32 $0x0;
	[sflag:s4] =	ssyncadd.s32 $0xFFFFC000;
	s15 =	sor.u32 $0x8000, s16  }
.LBB1_3:
0x27: {  	s18 =	sshll.u32 s17, $0x8  }
0x28: {  	s18 =	sand.u32 $0x3FFFFF00, s18  }
0x29: {  	s19 =	sshll.u32 s17, $0x7;
	s18 =	sadd.s32 s18, s16  }
0x2a: {  	s19 =	sand.u32 $0x3FFFFF80, s19;
	v0 =	vmov s18  }
0x2b: {  	s19 =	sadd.s32 s19, s15  }
0x2c: {  	p0 =	por $0x1, $0x1;
	v1 =	vmov s19;
	s18 =	simm.s32 $0x0  }
.LBB1_4:
0x2d: {  	s19 =	sshll.u32 s18, $0x7  }
0x2e: {  	s19 =	sand.u32 $0x3FFFFF80, s19  }
0x2f: {  	v2 =	vld.idx.msk [tilespmem:v0+s19+$0x0 ss:$0x1], $0xffff  }
0x30: {  	v3 =	vld.idx.msk [tilespmem:v0+s19+$0x10 ss:$0x1], $0xffff  }
0x31: {  	v4 =	vld.idx.msk [tilespmem:v0+s19+$0x20 ss:$0x1], $0xffff  }
0x32: {  	s31 =	sshll.u32 s18, $0xD;
	v5 =	vld.idx.msk [tilespmem:v0+s19+$0x30 ss:$0x1], $0xffff  }
0x33: {  	s18 =	sand.u32 $0x3FFFE000, s31;
	v6 =	vld.idx.msk [tilespmem:v0+s19+$0x40 ss:$0x1], $0xffff  }
0x34: {  	v63 =	vld.idx.msk [tilespmem:v0+s19+$0x70 ss:$0x1], $0xffff;
	[tilespmem:v1+s18+$0x0 ss:$0x1] =	vst.idx.msk $0xffff, v2  }
0x35: {  	v2 =	vld.idx.msk [tilespmem:v0+s19+$0x50 ss:$0x1], $0xffff;
	[tilespmem:v1+s18+$0x10 ss:$0x1] =	vst.idx.msk $0xffff, v3  }
0x36: {  	p1 =	por p0, p0;
	v3 =	vld.idx.msk [tilespmem:v0+s19+$0x60 ss:$0x1], $0xffff;
	[tilespmem:v1+s18+$0x20 ss:$0x1] =	vst.idx.msk $0xffff, v4  }
.Ltmp3:
0x37: {  	[tilespmem:v1+s18+$0x30 ss:$0x1] =	vst.idx.msk $0xffff, v5;
	(pc) =	sbr.rel @p1 .LBB1_4-.Ltmp3, $4  }
0x38: {  	[tilespmem:v1+s18+$0x40 ss:$0x1] =	vst.idx.msk $0xffff, v6  }
0x39: {  	[tilespmem:v1+s18+$0x70 ss:$0x1] =	vst.idx.msk $0xffff, v63  }
0x3a: {  	[tilespmem:v1+s18+$0x50 ss:$0x1] =	vst.idx.msk $0xffff, v2  }
0x3b: {  	p0 =	por $0x0, $0x0;
	[tilespmem:v1+s18+$0x60 ss:$0x1] =	vst.idx.msk $0xffff, v3;
	s18 =	simm.s32 $0x1  }
0x3c: {  	s17 =	sadd.s32 $0x1, s17  }
0x3d: {  	p0 =	sne.s32 s17, $0x40  }
.Ltmp4:
0x3e: {  	_ = 	snop;
	(pc) =	sbr.rel @p0 .LBB1_3-.Ltmp4, $1  }
0x3f: {  	_ =	sdelay $0x3  }
.Ltmp5:
0x40: {  	s14 =	sshll.u32 s14, $0x4;
	(pc) =	sbr.rel .LBB1_7-.Ltmp5, $4  }
0x41: {  	s14 =	sand.u32 $0xFFF0, s14  }
0x42: {  	s13 =	sshll.u32 s13, $0x10;
	s14 =	sadd.s32 s3, s14  }
0x43: {  	s13 =	sadd.s32 s13, s14  }
0x44: {  	[hbm4b:s13+s8] =	stream.strided.scatter [tilespmem:s15], [sflag:$0x2], $0x4000, s9, s8, $0x38;
	[tilespmem:$0x10000] =	vst v63  }
.LBB1_8:
0x45: {  	_ =	sfence.sel $0x180000  }
0x46: {  	s2 =	simm.s32 $0x1;
	[bflag:$0x0] =	sbarrier.arrive $0xFFFF  }
0x47: {  	s31 =	simm.s32 $0x2;
	[sflag:s2] =	ssyncpa.u1 $0x1  }
0x48: {  	[sflag:s31] =	ssyncpa.u1 $0x1  }
0x49: {  	p0 =	sne.s32 s0, $0x0;
	_ =	strace $0x9000004A  }
0x4a: {  	s0 =	sadd.s32 @!p0 $0x100000, s1;
	[bflag:$0x2] =	sbarrier.arrive $0xFFFF  }
0x4b: {  	[sflag:s0] =	ssyncadd.tile.s32 @!p0 $0x1;
	_ =	shalt  }
.Lfunc_end1:
_tile_overlayer_lowered:
.L_overlay_start_2:
0x4c: {  	(tag) =	ssettag $0x2  }
0x4d: {  	s0 =	rddreg [dreg:$0x0];
	s2 =	stileid.u32  }
0x4e: {  	s1 =	rddreg [dreg:$0x1];
	p0 =	sne.s32 s2, $0x0  }
0x4f: {  	s3 =	rddreg [dreg:$0x2];
	[bflag:$0x3] =	sbarrier.arrive $0xFFFF;
	s2 =	simm.s32 @!p0 $0x1C01  }
0x50: {  	[timem:s3], [sflag:s2] =	dma.local @!p0 [hbm:s0], s1  }
0x51: {  	s0 =	simm.s32 @!p0 $0x1  }
0x52: {  	_ =	swait.ge @!p0 [sflag:s0], s1  }
0x53: {  	s1 =	ssub.s32 @!p0 $0x0, s1;
	[sflag:s0] =	ssyncset.done @!p0 $0x0  }
0x54: {  	[sflag:s0] =	ssyncadd.s32 @!p0 s1  }
0x55: {  	[bflag:$0x3] =	sbarrier.arrive $0xFFFF  }
0x56: {  	_ =	shalt  }

</sc_bundles>
